<compile_context>
chip_gen: v7x
topology: tpu7x:2x2x1
jax: 0.10.2.dev20260603
libtpu: 0.0.44.dev20260713+nightly
codegen_flags: <defaults>
</compile_context>

<pallas_src>
import functools

import jax
import jax.numpy as jnp
from jax import lax
from jax.experimental import pallas as pl
from jax.experimental.pallas import tpu as pltpu
from jax.experimental.pallas import tpu_sc as plsc

BATCH = 16384
L = 200
LP = 208
NUM_CORES = 2
NUM_SUBCORES = 16
NW = NUM_CORES * NUM_SUBCORES
ROWS_PER_W = BATCH // NW
DMA_ROWS = 64
NV = DMA_ROWS // 16
GROUPS_PER_W = ROWS_PER_W // DMA_ROWS
CHUNK = DMA_ROWS * LP
P_HBM = 80
H_WORDS = P_HBM * DMA_ROWS
S_WORDS = CHUNK - H_WORDS
VOCAB = 1000001
TBL_ALLOC = 1000448
TBL_CHUNK = 62504
TBL_SUB = 13312
TBL_LAST = TBL_CHUNK - 4 * TBL_SUB
TBL_LAST15 = VOCAB - 15 * TBL_CHUNK - 4 * TBL_SUB


def _sc_embed_sum(x_flat, s_flat, wv, bv, tv):
    mesh = plsc.VectorSubcoreMesh(core_axis_name="c", subcore_axis_name="s")

    @functools.partial(
        pl.kernel,
        mesh=mesh,
        out_type=[
            jax.ShapeDtypeStruct((BATCH,), jnp.float32),
            jax.ShapeDtypeStruct((BATCH,), jnp.int32),
        ],
        scratch_types=[
            pltpu.VMEM_SHARED((TBL_ALLOC,), jnp.float32),
            pltpu.VMEM((CHUNK,), jnp.int32),
            pltpu.VMEM((CHUNK,), jnp.int32),
            pltpu.VMEM((CHUNK,), jnp.float32),
            pltpu.VMEM((CHUNK,), jnp.float32),
            pltpu.VMEM((ROWS_PER_W,), jnp.float32),
            pltpu.VMEM((ROWS_PER_W,), jnp.int32),
            pltpu.VMEM((16,), jnp.float32),
            pltpu.VMEM((16,), jnp.float32),
            pltpu.VMEM((16,), jnp.float32),
            pltpu.SemaphoreType.DMA,
            pltpu.SemaphoreType.DMA,
            pltpu.SemaphoreType.DMA,
            pltpu.SemaphoreType.DMA,
            pltpu.SemaphoreType.DMA,
            pltpu.SemaphoreType.DMA,
        ],
    )
    def k(x_hbm, s_hbm, wv_hbm, bv_hbm, tv_hbm, logit_hbm, label_hbm,
          table_sh, idx0, idx1, vals0, vals1, acc_v, lbl_v,
          wv_v, bv_v, tv_v, sem_i0, sem_i1, sem_v0, sem_v1, sem_h0, sem_h1):
        cid = lax.axis_index("c")
        sid = lax.axis_index("s")
        wid = sid * NUM_CORES + cid

        tbl_base = sid * TBL_CHUNK
        bufs = [vals0, vals1]
        sin = [sem_i0, sem_i1]
        sout = [sem_v0, sem_v1]
        last = jnp.where(sid == NUM_SUBCORES - 1, TBL_LAST15, TBL_LAST)

        def st_in(j, sz):
            pltpu.async_copy(s_hbm.at[pl.ds(tbl_base + j * TBL_SUB, sz)],
                             bufs[j % 2].at[pl.ds(0, sz)], sin[j % 2])

        def st_wait_in(j, sz):
            pltpu.make_async_copy(s_hbm.at[pl.ds(0, sz)],
                                  bufs[j % 2].at[pl.ds(0, sz)],
                                  sin[j % 2]).wait()

        def st_out(j, sz):
            pltpu.async_copy(bufs[j % 2].at[pl.ds(0, sz)],
                             table_sh.at[pl.ds(tbl_base + j * TBL_SUB, sz)],
                             sout[j % 2])

        def st_wait_out(j, sz):
            pltpu.make_async_copy(bufs[j % 2].at[pl.ds(0, sz)],
                                  table_sh.at[pl.ds(0, sz)],
                                  sout[j % 2]).wait()

        st_in(0, TBL_SUB)
        st_in(1, TBL_SUB)
        for j in range(4):
            st_wait_in(j, TBL_SUB)
            st_out(j, TBL_SUB)
            if j + 2 < 4:
                st_wait_out(j, TBL_SUB)
                st_in(j + 2, TBL_SUB)
        st_wait_out(2, TBL_SUB)

        @pl.when(sid == NUM_SUBCORES - 1)
        def _():
            pltpu.sync_copy(s_hbm.at[pl.ds(tbl_base + 4 * TBL_SUB, TBL_LAST15)],
                            vals0.at[pl.ds(0, TBL_LAST15)])
            pltpu.sync_copy(vals0.at[pl.ds(0, TBL_LAST15)],
                            table_sh.at[pl.ds(tbl_base + 4 * TBL_SUB, TBL_LAST15)])

        @pl.when(sid != NUM_SUBCORES - 1)
        def _():
            pltpu.sync_copy(s_hbm.at[pl.ds(tbl_base + 4 * TBL_SUB, TBL_LAST)],
                            vals0.at[pl.ds(0, TBL_LAST)])
            pltpu.sync_copy(vals0.at[pl.ds(0, TBL_LAST)],
                            table_sh.at[pl.ds(tbl_base + 4 * TBL_SUB, TBL_LAST)])

        st_wait_out(3, TBL_SUB)
        pltpu.sync_copy(wv_hbm, wv_v)
        pltpu.sync_copy(bv_hbm, bv_v)
        pltpu.sync_copy(tv_hbm, tv_v)
        w = wv_v[...]
        b = bv_v[...]
        t = tv_v[...]
        plsc.subcore_barrier()

        def issue_idx(g, idx_buf, sem):
            gc = jnp.minimum(g, GROUPS_PER_W - 1)
            base = (wid * GROUPS_PER_W + gc) * CHUNK
            pltpu.async_copy(x_hbm.at[pl.ds(base, CHUNK)], idx_buf, sem)

        def wait_idx(idx_buf, sem):
            pltpu.make_async_copy(x_hbm.at[pl.ds(0, CHUNK)], idx_buf, sem).wait()

        def issue_gather(idx_buf, vals_buf, sem, sem_h):
            pltpu.async_copy(s_hbm.at[idx_buf.at[pl.ds(0, H_WORDS)]],
                             vals_buf.at[pl.ds(0, H_WORDS)], sem_h)
            pltpu.async_copy(table_sh.at[idx_buf.at[pl.ds(H_WORDS, S_WORDS)]],
                             vals_buf.at[pl.ds(H_WORDS, S_WORDS)], sem)

        def wait_gather(idx_buf, vals_buf, sem, sem_h):
            pltpu.make_async_copy(
                s_hbm.at[idx_buf.at[pl.ds(0, H_WORDS)]],
                vals_buf.at[pl.ds(0, H_WORDS)], sem_h).wait()
            pltpu.make_async_copy(
                table_sh.at[idx_buf.at[pl.ds(H_WORDS, S_WORDS)]],
                vals_buf.at[pl.ds(H_WORDS, S_WORDS)], sem).wait()

        def compute(g, vals_buf):
            def p_body(p, accs):
                return tuple(
                    accs[v] + vals_buf[pl.ds((p * NV + v) * 16, 16)]
                    for v in range(NV)
                )

            accs = lax.fori_loop(
                0, LP, p_body,
                tuple(jnp.zeros((16,), jnp.float32) for _ in range(NV)))
            for v in range(NV):
                logit = accs[v] * w + b
                label = jnp.where(logit >= t, 1, 0).astype(jnp.int32)
                acc_v[pl.ds(g * DMA_ROWS + v * 16, 16)] = logit
                lbl_v[pl.ds(g * DMA_ROWS + v * 16, 16)] = label

        pltpu.sync_copy(x_hbm.at[pl.ds(wid * GROUPS_PER_W * CHUNK, CHUNK)], idx0)
        issue_gather(idx0, vals0, sem_v0, sem_h0)
        issue_idx(1, idx1, sem_i1)

        def pair_body(i, carry):
            g0 = 2 * i
            g1 = g0 + 1
            wait_gather(idx0, vals0, sem_v0, sem_h0)
            issue_idx(g0 + 2, idx0, sem_i0)
            wait_idx(idx1, sem_i1)
            issue_gather(idx1, vals1, sem_v1, sem_h1)
            compute(g0, vals0)
            wait_gather(idx1, vals1, sem_v1, sem_h1)
            issue_idx(g1 + 2, idx1, sem_i1)
            wait_idx(idx0, sem_i0)
            issue_gather(idx0, vals0, sem_v0, sem_h0)
            compute(g1, vals1)
            return carry

        lax.fori_loop(0, GROUPS_PER_W // 2, pair_body, 0)
        wait_gather(idx0, vals0, sem_v0, sem_h0)
        wait_idx(idx1, sem_i1)

        out_base = wid * ROWS_PER_W
        pltpu.sync_copy(acc_v, logit_hbm.at[pl.ds(out_base, ROWS_PER_W)])
        pltpu.sync_copy(lbl_v, label_hbm.at[pl.ds(out_base, ROWS_PER_W)])

    return k(x_flat, s_flat, wv, bv, tv)


def kernel(x, S, ones_col, W, b, thresh_t):
    xp = jnp.pad(x.astype(jnp.int32), ((0, 0), (0, LP - L)))
    x_flat = xp.reshape(BATCH // DMA_ROWS, DMA_ROWS, LP)
    x_flat = x_flat.transpose(0, 2, 1).reshape(-1)
    s_flat = S.reshape(-1)
    wv = jnp.broadcast_to(W.reshape(1), (16,))
    bv = jnp.broadcast_to(b.reshape(1), (16,))
    tv = jnp.broadcast_to(thresh_t.reshape(1), (16,))
    logit, label = _sc_embed_sum(x_flat, s_flat, wv, bv, tv)
    return (logit.reshape(BATCH, 1), label.astype(jnp.bool_).reshape(BATCH, 1))

# --- scband reference (transcript-rebuilt; emitter-appended) ---
"""Pipeline reference for scband-tiny-linear-sentiment-35338990911787 (READ-ONLY COPY).

The authoritative reference and input builder live on the scoring server;
editing this copy changes nothing except your own understanding.
"""

import jax, jax.numpy as jnp
import numpy as np

VOCAB_SIZE = 1000000
L = 200
BATCH = 16384
T = 0.0

def setup_inputs(seed: int = 0) -> dict:
    key = jax.random.key(seed)
    k1, k2 = jax.random.split(key)
    x = jax.random.randint(k1, (BATCH, L), 0, VOCAB_SIZE, dtype=jnp.int64 if jax.config.jax_enable_x64 else jnp.int32)
    S = jax.random.normal(k2, (VOCAB_SIZE + 1, 1), dtype=jnp.float32) * 0.02
    S = S.at[0, 0].set(0.0)  # reset_padding_weight behavior
    ones_col = jnp.ones((L, 1), dtype=jnp.float32)
    W = jnp.zeros((1, 1), dtype=jnp.float32)
    b = jnp.zeros((1,), dtype=jnp.float32)
    thresh_t = jnp.array([[float(T)]], dtype=jnp.float32)
    return {"x": x, "S": S, "ones_col": ones_col, "W": W, "b": b, "thresh_t": thresh_t}

def reference(x, S, ones_col, W, b, thresh_t):
    # scores = Embedding(x) -> [B, L, 1] -> squeeze(-1) -> [B, L]
    scores = jnp.take(S, x, axis=0).squeeze(-1)
    # sum_score = scores @ ones_col -> [B, 1]
    sum_score = jnp.matmul(scores, ones_col)
    # logit = sum_score @ W + b -> [B, 1]
    logit = jnp.matmul(sum_score, W) + b
    label_bool = logit >= thresh_t
    return (logit, label_bool)

if __name__ == "__main__":
    import jax
    _d = setup_inputs()
    print(jax.jit(kernel)(*tuple(_d.values())))

</pallas_src>

<mosaic_0001>
#map = affine_map<(d0, d1) -> (0)>
module attributes {stable_mosaic.version = 14 : i64} {
  func.func @k(%arg0: i32, %arg1: i32, %arg2: memref<3407872xi32, #tpu.memory_space<hbm>>, %arg3: memref<1000001xf32, #tpu.memory_space<hbm>>, %arg4: memref<16xf32, #tpu.memory_space<hbm>>, %arg5: memref<16xf32, #tpu.memory_space<hbm>>, %arg6: memref<16xf32, #tpu.memory_space<hbm>>, %arg7: memref<16384xf32, #tpu.memory_space<hbm>>, %arg8: memref<16384xi32, #tpu.memory_space<hbm>>, %arg9: memref<1000448xf32, #tpu.memory_space<vmem_shared>>, %arg10: memref<13312xi32, #tpu.memory_space<vmem>>, %arg11: memref<13312xi32, #tpu.memory_space<vmem>>, %arg12: memref<13312xf32, #tpu.memory_space<vmem>>, %arg13: memref<13312xf32, #tpu.memory_space<vmem>>, %arg14: memref<512xf32, #tpu.memory_space<vmem>>, %arg15: memref<512xi32, #tpu.memory_space<vmem>>, %arg16: memref<16xf32, #tpu.memory_space<vmem>>, %arg17: memref<16xf32, #tpu.memory_space<vmem>>, %arg18: memref<16xf32, #tpu.memory_space<vmem>>, %arg19: memref<!tpu.dma_semaphore, #tpu.memory_space<semaphore_mem>>, %arg20: memref<!tpu.dma_semaphore, #tpu.memory_space<semaphore_mem>>, %arg21: memref<!tpu.dma_semaphore, #tpu.memory_space<semaphore_mem>>, %arg22: memref<!tpu.dma_semaphore, #tpu.memory_space<semaphore_mem>>, %arg23: memref<!tpu.dma_semaphore, #tpu.memory_space<semaphore_mem>>, %arg24: memref<!tpu.dma_semaphore, #tpu.memory_space<semaphore_mem>>) attributes {dimension_semantics = [#tpu.dimension_semantics<core_parallel>, #tpu.dimension_semantics<subcore_parallel>], iteration_bounds = array<i64: 2, 16>, scalar_prefetch = 0 : i64, scratch_operands = 16 : i64, tpu.core_type = #tpu.core_type<sc_vector_subcore>, window_params = [{transform_indices = #map}, {transform_indices = #map}, {transform_indices = #map}, {transform_indices = #map}, {transform_indices = #map}, {transform_indices = #map}, {transform_indices = #map}]} {
    %mul3A = arith.constant 2 : i32
    %mul3A_0 = arith.muli %arg1, %mul3A : i32
    %add3A = arith.addi %mul3A_0, %arg0 : i32
    %mul3A_1 = arith.constant 62504 : i32
    %mul3A_2 = arith.muli %arg1, %mul3A_1 : i32
    %eq3A = arith.constant 15 : i32
    %eq3A_3 = arith.cmpi eq, %arg1, %eq3A : i32
    %jit3A = arith.constant 9193 : i32
    %jit3A_4 = arith.constant 9256 : i32
    %select_n3A = arith.select %eq3A_3, %jit3A, %jit3A_4 : i32
    %add3A_5 = arith.constant 0 : i32
    %add3A_6 = arith.addi %mul3A_2, %add3A_5 : i32
    %dma_start3A = arith.constant 0 : i32
    %dma_start3A_7 = tpu.memref_slice %arg12[%dma_start3A] : memref<13312xf32, #tpu.memory_space<vmem>> -> memref<13312xf32, #tpu.memory_space<vmem>>
    %dma_start3A_8 = tpu.memref_slice %arg3[%add3A_6] : memref<1000001xf32, #tpu.memory_space<hbm>> -> memref<13312xf32, #tpu.memory_space<hbm>>
    %dma_start3A_9 = arith.constant 0 : i32
    %dma_start3A_10 = tpu.memref_slice %arg12[%dma_start3A_9] : memref<13312xf32, #tpu.memory_space<vmem>> -> memref<13312xf32, #tpu.memory_space<vmem>>
    %dma_start3A_11 = tpu.memref_slice %arg3[%add3A_6] : memref<1000001xf32, #tpu.memory_space<hbm>> -> memref<13312xf32, #tpu.memory_space<hbm>>
    tpu.enqueue_dma source(%dma_start3A_11 : memref<13312xf32, #tpu.memory_space<hbm>>) target(%dma_start3A_10 : memref<13312xf32, #tpu.memory_space<vmem>>) target_semaphore(%arg19 : memref<!tpu.dma_semaphore, #tpu.memory_space<semaphore_mem>>)
    %add3A_12 = arith.constant 13312 : i32
    %add3A_13 = arith.addi %mul3A_2, %add3A_12 : i32
    %dma_start3A_14 = arith.constant 0 : i32
    %dma_start3A_15 = tpu.memref_slice %arg13[%dma_start3A_14] : memref<13312xf32, #tpu.memory_space<vmem>> -> memref<13312xf32, #tpu.memory_space<vmem>>
    %dma_start3A_16 = tpu.memref_slice %arg3[%add3A_13] : memref<1000001xf32, #tpu.memory_space<hbm>> -> memref<13312xf32, #tpu.memory_space<hbm>>
    %dma_start3A_17 = arith.constant 0 : i32
    %dma_start3A_18 = tpu.memref_slice %arg13[%dma_start3A_17] : memref<13312xf32, #tpu.memory_space<vmem>> -> memref<13312xf32, #tpu.memory_space<vmem>>
    %dma_start3A_19 = tpu.memref_slice %arg3[%add3A_13] : memref<1000001xf32, #tpu.memory_space<hbm>> -> memref<13312xf32, #tpu.memory_space<hbm>>
    tpu.enqueue_dma source(%dma_start3A_19 : memref<13312xf32, #tpu.memory_space<hbm>>) target(%dma_start3A_18 : memref<13312xf32, #tpu.memory_space<vmem>>) target_semaphore(%arg20 : memref<!tpu.dma_semaphore, #tpu.memory_space<semaphore_mem>>)
    %dma_wait3A = arith.constant 0 : i32
    %dma_wait3A_20 = tpu.memref_slice %arg12[%dma_wait3A] : memref<13312xf32, #tpu.memory_space<vmem>> -> memref<13312xf32, #tpu.memory_space<vmem>>
    %dma_wait3A_21 = arith.constant 0 : i32
    %dma_wait3A_22 = tpu.memref_slice %arg3[%dma_wait3A_21] : memref<1000001xf32, #tpu.memory_space<hbm>> -> memref<13312xf32, #tpu.memory_space<hbm>>
    %dma_wait3A_23 = arith.constant 0 : i32
    %dma_wait3A_24 = tpu.memref_slice %arg12[%dma_wait3A_23] : memref<13312xf32, #tpu.memory_space<vmem>> -> memref<13312xf32, #tpu.memory_space<vmem>>
    %dma_wait3A_25 = arith.constant 0 : i32
    %dma_wait3A_26 = tpu.memref_slice %arg3[%dma_wait3A_25] : memref<1000001xf32, #tpu.memory_space<hbm>> -> memref<13312xf32, #tpu.memory_space<hbm>>
    tpu.wait_dma2 semaphore(%arg19 : memref<!tpu.dma_semaphore, #tpu.memory_space<semaphore_mem>>) src(%dma_wait3A_26 : memref<13312xf32, #tpu.memory_space<hbm>>) dst(%dma_wait3A_24 : memref<13312xf32, #tpu.memory_space<vmem>>)
    %add3A_27 = arith.constant 0 : i32
    %add3A_28 = arith.addi %mul3A_2, %add3A_27 : i32
    %dma_start3A_29 = arith.constant 0 : i32
    %dma_start3A_30 = tpu.memref_slice %arg12[%dma_start3A_29] : memref<13312xf32, #tpu.memory_space<vmem>> -> memref<13312xf32, #tpu.memory_space<vmem>>
    %dma_start3A_31 = tpu.memref_slice %arg9[%add3A_28] : memref<1000448xf32, #tpu.memory_space<vmem_shared>> -> memref<13312xf32, #tpu.memory_space<vmem_shared>>
    %dma_start3A_32 = tpu.memref_slice %arg9[%add3A_28] : memref<1000448xf32, #tpu.memory_space<vmem_shared>> -> memref<13312xf32, #tpu.memory_space<vmem_shared>>
    %dma_start3A_33 = arith.constant 0 : i32
    %dma_start3A_34 = tpu.memref_slice %arg12[%dma_start3A_33] : memref<13312xf32, #tpu.memory_space<vmem>> -> memref<13312xf32, #tpu.memory_space<vmem>>
    tpu.enqueue_dma source(%dma_start3A_34 : memref<13312xf32, #tpu.memory_space<vmem>>) target(%dma_start3A_32 : memref<13312xf32, #tpu.memory_space<vmem_shared>>) target_semaphore(%arg21 : memref<!tpu.dma_semaphore, #tpu.memory_space<semaphore_mem>>)
    %dma_wait3A_35 = arith.constant 0 : i32
    %dma_wait3A_36 = tpu.memref_slice %arg12[%dma_wait3A_35] : memref<13312xf32, #tpu.memory_space<vmem>> -> memref<13312xf32, #tpu.memory_space<vmem>>
    %dma_wait3A_37 = arith.constant 0 : i32
    %dma_wait3A_38 = tpu.memref_slice %arg9[%dma_wait3A_37] : memref<1000448xf32, #tpu.memory_space<vmem_shared>> -> memref<13312xf32, #tpu.memory_space<vmem_shared>>
    %dma_wait3A_39 = arith.constant 0 : i32
    %dma_wait3A_40 = tpu.memref_slice %arg9[%dma_wait3A_39] : memref<1000448xf32, #tpu.memory_space<vmem_shared>> -> memref<13312xf32, #tpu.memory_space<vmem_shared>>
    %dma_wait3A_41 = arith.constant 0 : i32
    %dma_wait3A_42 = tpu.memref_slice %arg12[%dma_wait3A_41] : memref<13312xf32, #tpu.memory_space<vmem>> -> memref<13312xf32, #tpu.memory_space<vmem>>
    tpu.wait_dma2 semaphore(%arg21 : memref<!tpu.dma_semaphore, #tpu.memory_space<semaphore_mem>>) src(%dma_wait3A_42 : memref<13312xf32, #tpu.memory_space<vmem>>) dst(%dma_wait3A_40 : memref<13312xf32, #tpu.memory_space<vmem_shared>>)
    %add3A_43 = arith.constant 26624 : i32
    %add3A_44 = arith.addi %mul3A_2, %add3A_43 : i32
    %dma_start3A_45 = arith.constant 0 : i32
    %dma_start3A_46 = tpu.memref_slice %arg12[%dma_start3A_45] : memref<13312xf32, #tpu.memory_space<vmem>> -> memref<13312xf32, #tpu.memory_space<vmem>>
    %dma_start3A_47 = tpu.memref_slice %arg3[%add3A_44] : memref<1000001xf32, #tpu.memory_space<hbm>> -> memref<13312xf32, #tpu.memory_space<hbm>>
    %dma_start3A_48 = arith.constant 0 : i32
    %dma_start3A_49 = tpu.memref_slice %arg12[%dma_start3A_48] : memref<13312xf32, #tpu.memory_space<vmem>> -> memref<13312xf32, #tpu.memory_space<vmem>>
    %dma_start3A_50 = tpu.memref_slice %arg3[%add3A_44] : memref<1000001xf32, #tpu.memory_space<hbm>> -> memref<13312xf32, #tpu.memory_space<hbm>>
    tpu.enqueue_dma source(%dma_start3A_50 : memref<13312xf32, #tpu.memory_space<hbm>>) target(%dma_start3A_49 : memref<13312xf32, #tpu.memory_space<vmem>>) target_semaphore(%arg19 : memref<!tpu.dma_semaphore, #tpu.memory_space<semaphore_mem>>)
    %dma_wait3A_51 = arith.constant 0 : i32
    %dma_wait3A_52 = tpu.memref_slice %arg13[%dma_wait3A_51] : memref<13312xf32, #tpu.memory_space<vmem>> -> memref<13312xf32, #tpu.memory_space<vmem>>
    %dma_wait3A_53 = arith.constant 0 : i32
    %dma_wait3A_54 = tpu.memref_slice %arg3[%dma_wait3A_53] : memref<1000001xf32, #tpu.memory_space<hbm>> -> memref<13312xf32, #tpu.memory_space<hbm>>
    %dma_wait3A_55 = arith.constant 0 : i32
    %dma_wait3A_56 = tpu.memref_slice %arg13[%dma_wait3A_55] : memref<13312xf32, #tpu.memory_space<vmem>> -> memref<13312xf32, #tpu.memory_space<vmem>>
    %dma_wait3A_57 = arith.constant 0 : i32
    %dma_wait3A_58 = tpu.memref_slice %arg3[%dma_wait3A_57] : memref<1000001xf32, #tpu.memory_space<hbm>> -> memref<13312xf32, #tpu.memory_space<hbm>>
    tpu.wait_dma2 semaphore(%arg20 : memref<!tpu.dma_semaphore, #tpu.memory_space<semaphore_mem>>) src(%dma_wait3A_58 : memref<13312xf32, #tpu.memory_space<hbm>>) dst(%dma_wait3A_56 : memref<13312xf32, #tpu.memory_space<vmem>>)
    %add3A_59 = arith.constant 13312 : i32
    %add3A_60 = arith.addi %mul3A_2, %add3A_59 : i32
    %dma_start3A_61 = arith.constant 0 : i32
    %dma_start3A_62 = tpu.memref_slice %arg13[%dma_start3A_61] : memref<13312xf32, #tpu.memory_space<vmem>> -> memref<13312xf32, #tpu.memory_space<vmem>>
    %dma_start3A_63 = tpu.memref_slice %arg9[%add3A_60] : memref<1000448xf32, #tpu.memory_space<vmem_shared>> -> memref<13312xf32, #tpu.memory_space<vmem_shared>>
    %dma_start3A_64 = tpu.memref_slice %arg9[%add3A_60] : memref<1000448xf32, #tpu.memory_space<vmem_shared>> -> memref<13312xf32, #tpu.memory_space<vmem_shared>>
    %dma_start3A_65 = arith.constant 0 : i32
    %dma_start3A_66 = tpu.memref_slice %arg13[%dma_start3A_65] : memref<13312xf32, #tpu.memory_space<vmem>> -> memref<13312xf32, #tpu.memory_space<vmem>>
    tpu.enqueue_dma source(%dma_start3A_66 : memref<13312xf32, #tpu.memory_space<vmem>>) target(%dma_start3A_64 : memref<13312xf32, #tpu.memory_space<vmem_shared>>) target_semaphore(%arg22 : memref<!tpu.dma_semaphore, #tpu.memory_space<semaphore_mem>>)
    %dma_wait3A_67 = arith.constant 0 : i32
    %dma_wait3A_68 = tpu.memref_slice %arg13[%dma_wait3A_67] : memref<13312xf32, #tpu.memory_space<vmem>> -> memref<13312xf32, #tpu.memory_space<vmem>>
    %dma_wait3A_69 = arith.constant 0 : i32
    %dma_wait3A_70 = tpu.memref_slice %arg9[%dma_wait3A_69] : memref<1000448xf32, #tpu.memory_space<vmem_shared>> -> memref<13312xf32, #tpu.memory_space<vmem_shared>>
    %dma_wait3A_71 = arith.constant 0 : i32
    %dma_wait3A_72 = tpu.memref_slice %arg9[%dma_wait3A_71] : memref<1000448xf32, #tpu.memory_space<vmem_shared>> -> memref<13312xf32, #tpu.memory_space<vmem_shared>>
    %dma_wait3A_73 = arith.constant 0 : i32
    %dma_wait3A_74 = tpu.memref_slice %arg13[%dma_wait3A_73] : memref<13312xf32, #tpu.memory_space<vmem>> -> memref<13312xf32, #tpu.memory_space<vmem>>
    tpu.wait_dma2 semaphore(%arg22 : memref<!tpu.dma_semaphore, #tpu.memory_space<semaphore_mem>>) src(%dma_wait3A_74 : memref<13312xf32, #tpu.memory_space<vmem>>) dst(%dma_wait3A_72 : memref<13312xf32, #tpu.memory_space<vmem_shared>>)
    %add3A_75 = arith.constant 39936 : i32
    %add3A_76 = arith.addi %mul3A_2, %add3A_75 : i32
    %dma_start3A_77 = arith.constant 0 : i32
    %dma_start3A_78 = tpu.memref_slice %arg13[%dma_start3A_77] : memref<13312xf32, #tpu.memory_space<vmem>> -> memref<13312xf32, #tpu.memory_space<vmem>>
    %dma_start3A_79 = tpu.memref_slice %arg3[%add3A_76] : memref<1000001xf32, #tpu.memory_space<hbm>> -> memref<13312xf32, #tpu.memory_space<hbm>>
    %dma_start3A_80 = arith.constant 0 : i32
    %dma_start3A_81 = tpu.memref_slice %arg13[%dma_start3A_80] : memref<13312xf32, #tpu.memory_space<vmem>> -> memref<13312xf32, #tpu.memory_space<vmem>>
    %dma_start3A_82 = tpu.memref_slice %arg3[%add3A_76] : memref<1000001xf32, #tpu.memory_space<hbm>> -> memref<13312xf32, #tpu.memory_space<hbm>>
    tpu.enqueue_dma source(%dma_start3A_82 : memref<13312xf32, #tpu.memory_space<hbm>>) target(%dma_start3A_81 : memref<13312xf32, #tpu.memory_space<vmem>>) target_semaphore(%arg20 : memref<!tpu.dma_semaphore, #tpu.memory_space<semaphore_mem>>)
    %dma_wait3A_83 = arith.constant 0 : i32
    %dma_wait3A_84 = tpu.memref_slice %arg12[%dma_wait3A_83] : memref<13312xf32, #tpu.memory_space<vmem>> -> memref<13312xf32, #tpu.memory_space<vmem>>
    %dma_wait3A_85 = arith.constant 0 : i32
    %dma_wait3A_86 = tpu.memref_slice %arg3[%dma_wait3A_85] : memref<1000001xf32, #tpu.memory_space<hbm>> -> memref<13312xf32, #tpu.memory_space<hbm>>
    %dma_wait3A_87 = arith.constant 0 : i32
    %dma_wait3A_88 = tpu.memref_slice %arg12[%dma_wait3A_87] : memref<13312xf32, #tpu.memory_space<vmem>> -> memref<13312xf32, #tpu.memory_space<vmem>>
    %dma_wait3A_89 = arith.constant 0 : i32
    %dma_wait3A_90 = tpu.memref_slice %arg3[%dma_wait3A_89] : memref<1000001xf32, #tpu.memory_space<hbm>> -> memref<13312xf32, #tpu.memory_space<hbm>>
    tpu.wait_dma2 semaphore(%arg19 : memref<!tpu.dma_semaphore, #tpu.memory_space<semaphore_mem>>) src(%dma_wait3A_90 : memref<13312xf32, #tpu.memory_space<hbm>>) dst(%dma_wait3A_88 : memref<13312xf32, #tpu.memory_space<vmem>>)
    %add3A_91 = arith.constant 26624 : i32
    %add3A_92 = arith.addi %mul3A_2, %add3A_91 : i32
    %dma_start3A_93 = arith.constant 0 : i32
    %dma_start3A_94 = tpu.memref_slice %arg12[%dma_start3A_93] : memref<13312xf32, #tpu.memory_space<vmem>> -> memref<13312xf32, #tpu.memory_space<vmem>>
    %dma_start3A_95 = tpu.memref_slice %arg9[%add3A_92] : memref<1000448xf32, #tpu.memory_space<vmem_shared>> -> memref<13312xf32, #tpu.memory_space<vmem_shared>>
    %dma_start3A_96 = tpu.memref_slice %arg9[%add3A_92] : memref<1000448xf32, #tpu.memory_space<vmem_shared>> -> memref<13312xf32, #tpu.memory_space<vmem_shared>>
    %dma_start3A_97 = arith.constant 0 : i32
    %dma_start3A_98 = tpu.memref_slice %arg12[%dma_start3A_97] : memref<13312xf32, #tpu.memory_space<vmem>> -> memref<13312xf32, #tpu.memory_space<vmem>>
    tpu.enqueue_dma source(%dma_start3A_98 : memref<13312xf32, #tpu.memory_space<vmem>>) target(%dma_start3A_96 : memref<13312xf32, #tpu.memory_space<vmem_shared>>) target_semaphore(%arg21 : memref<!tpu.dma_semaphore, #tpu.memory_space<semaphore_mem>>)
    %dma_wait3A_99 = arith.constant 0 : i32
    %dma_wait3A_100 = tpu.memref_slice %arg13[%dma_wait3A_99] : memref<13312xf32, #tpu.memory_space<vmem>> -> memref<13312xf32, #tpu.memory_space<vmem>>
    %dma_wait3A_101 = arith.constant 0 : i32
    %dma_wait3A_102 = tpu.memref_slice %arg3[%dma_wait3A_101] : memref<1000001xf32, #tpu.memory_space<hbm>> -> memref<13312xf32, #tpu.memory_space<hbm>>
    %dma_wait3A_103 = arith.constant 0 : i32
    %dma_wait3A_104 = tpu.memref_slice %arg13[%dma_wait3A_103] : memref<13312xf32, #tpu.memory_space<vmem>> -> memref<13312xf32, #tpu.memory_space<vmem>>
    %dma_wait3A_105 = arith.constant 0 : i32
    %dma_wait3A_106 = tpu.memref_slice %arg3[%dma_wait3A_105] : memref<1000001xf32, #tpu.memory_space<hbm>> -> memref<13312xf32, #tpu.memory_space<hbm>>
    tpu.wait_dma2 semaphore(%arg20 : memref<!tpu.dma_semaphore, #tpu.memory_space<semaphore_mem>>) src(%dma_wait3A_106 : memref<13312xf32, #tpu.memory_space<hbm>>) dst(%dma_wait3A_104 : memref<13312xf32, #tpu.memory_space<vmem>>)
    %add3A_107 = arith.constant 39936 : i32
    %add3A_108 = arith.addi %mul3A_2, %add3A_107 : i32
    %dma_start3A_109 = arith.constant 0 : i32
    %dma_start3A_110 = tpu.memref_slice %arg13[%dma_start3A_109] : memref<13312xf32, #tpu.memory_space<vmem>> -> memref<13312xf32, #tpu.memory_space<vmem>>
    %dma_start3A_111 = tpu.memref_slice %arg9[%add3A_108] : memref<1000448xf32, #tpu.memory_space<vmem_shared>> -> memref<13312xf32, #tpu.memory_space<vmem_shared>>
    %dma_start3A_112 = tpu.memref_slice %arg9[%add3A_108] : memref<1000448xf32, #tpu.memory_space<vmem_shared>> -> memref<13312xf32, #tpu.memory_space<vmem_shared>>
    %dma_start3A_113 = arith.constant 0 : i32
    %dma_start3A_114 = tpu.memref_slice %arg13[%dma_start3A_113] : memref<13312xf32, #tpu.memory_space<vmem>> -> memref<13312xf32, #tpu.memory_space<vmem>>
    tpu.enqueue_dma source(%dma_start3A_114 : memref<13312xf32, #tpu.memory_space<vmem>>) target(%dma_start3A_112 : memref<13312xf32, #tpu.memory_space<vmem_shared>>) target_semaphore(%arg22 : memref<!tpu.dma_semaphore, #tpu.memory_space<semaphore_mem>>)
    %dma_wait3A_115 = arith.constant 0 : i32
    %dma_wait3A_116 = tpu.memref_slice %arg12[%dma_wait3A_115] : memref<13312xf32, #tpu.memory_space<vmem>> -> memref<13312xf32, #tpu.memory_space<vmem>>
    %dma_wait3A_117 = arith.constant 0 : i32
    %dma_wait3A_118 = tpu.memref_slice %arg9[%dma_wait3A_117] : memref<1000448xf32, #tpu.memory_space<vmem_shared>> -> memref<13312xf32, #tpu.memory_space<vmem_shared>>
    %dma_wait3A_119 = arith.constant 0 : i32
    %dma_wait3A_120 = tpu.memref_slice %arg9[%dma_wait3A_119] : memref<1000448xf32, #tpu.memory_space<vmem_shared>> -> memref<13312xf32, #tpu.memory_space<vmem_shared>>
    %dma_wait3A_121 = arith.constant 0 : i32
    %dma_wait3A_122 = tpu.memref_slice %arg12[%dma_wait3A_121] : memref<13312xf32, #tpu.memory_space<vmem>> -> memref<13312xf32, #tpu.memory_space<vmem>>
    tpu.wait_dma2 semaphore(%arg21 : memref<!tpu.dma_semaphore, #tpu.memory_space<semaphore_mem>>) src(%dma_wait3A_122 : memref<13312xf32, #tpu.memory_space<vmem>>) dst(%dma_wait3A_120 : memref<13312xf32, #tpu.memory_space<vmem_shared>>)
    %eq3A_123 = arith.constant 15 : i32
    %eq3A_124 = arith.cmpi eq, %arg1, %eq3A_123 : i32
    %convert_element_type3A = arith.extui %eq3A_124 : i1 to i32
    %cond3A = arith.constant 0 : i32
    %cond3A_125 = arith.cmpi ne, %convert_element_type3A, %cond3A : i32
    scf.if %cond3A_125 {
      %add3A_194 = arith.constant 53248 : i32
      %add3A_195 = arith.addi %mul3A_2, %add3A_194 : i32
      "tpu.region"() ({
        %run_scoped3A = tpu.sem_alloc : memref<!tpu.dma_semaphore, #tpu.memory_space<semaphore_mem>>
        %dma_start3A_198 = arith.constant 0 : i32
        %dma_start3A_199 = tpu.memref_slice %arg12[%dma_start3A_198] : memref<13312xf32, #tpu.memory_space<vmem>> -> memref<9193xf32, #tpu.memory_space<vmem>>
        %dma_start3A_200 = tpu.memref_slice %arg3[%add3A_195] : memref<1000001xf32, #tpu.memory_space<hbm>> -> memref<9193xf32, #tpu.memory_space<hbm>>
        %dma_start3A_201 = arith.constant 0 : i32
        %dma_start3A_202 = tpu.memref_slice %arg12[%dma_start3A_201] : memref<13312xf32, #tpu.memory_space<vmem>> -> memref<9193xf32, #tpu.memory_space<vmem>>
        %dma_start3A_203 = tpu.memref_slice %arg3[%add3A_195] : memref<1000001xf32, #tpu.memory_space<hbm>> -> memref<9193xf32, #tpu.memory_space<hbm>>
        tpu.enqueue_dma source(%dma_start3A_203 : memref<9193xf32, #tpu.memory_space<hbm>>) target(%dma_start3A_202 : memref<9193xf32, #tpu.memory_space<vmem>>) target_semaphore(%run_scoped3A : memref<!tpu.dma_semaphore, #tpu.memory_space<semaphore_mem>>)
        %dma_wait3A_204 = arith.constant 0 : i32
        %dma_wait3A_205 = tpu.memref_slice %arg12[%dma_wait3A_204] : memref<13312xf32, #tpu.memory_space<vmem>> -> memref<9193xf32, #tpu.memory_space<vmem>>
        %dma_wait3A_206 = tpu.memref_slice %arg3[%add3A_195] : memref<1000001xf32, #tpu.memory_space<hbm>> -> memref<9193xf32, #tpu.memory_space<hbm>>
        %dma_wait3A_207 = arith.constant 0 : i32
        %dma_wait3A_208 = tpu.memref_slice %arg12[%dma_wait3A_207] : memref<13312xf32, #tpu.memory_space<vmem>> -> memref<9193xf32, #tpu.memory_space<vmem>>
        %dma_wait3A_209 = tpu.memref_slice %arg3[%add3A_195] : memref<1000001xf32, #tpu.memory_space<hbm>> -> memref<9193xf32, #tpu.memory_space<hbm>>
        tpu.wait_dma2 semaphore(%run_scoped3A : memref<!tpu.dma_semaphore, #tpu.memory_space<semaphore_mem>>) src(%dma_wait3A_209 : memref<9193xf32, #tpu.memory_space<hbm>>) dst(%dma_wait3A_208 : memref<9193xf32, #tpu.memory_space<vmem>>)
        tpu.yield
      }) : () -> ()
      %add3A_196 = arith.constant 53248 : i32
      %add3A_197 = arith.addi %mul3A_2, %add3A_196 : i32
      "tpu.region"() ({
        %run_scoped3A = tpu.sem_alloc : memref<!tpu.dma_semaphore, #tpu.memory_space<semaphore_mem>>
        %dma_start3A_198 = arith.constant 0 : i32
        %dma_start3A_199 = tpu.memref_slice %arg12[%dma_start3A_198] : memref<13312xf32, #tpu.memory_space<vmem>> -> memref<9193xf32, #tpu.memory_space<vmem>>
        %dma_start3A_200 = tpu.memref_slice %arg9[%add3A_197] : memref<1000448xf32, #tpu.memory_space<vmem_shared>> -> memref<9193xf32, #tpu.memory_space<vmem_shared>>
        %dma_start3A_201 = tpu.memref_slice %arg9[%add3A_197] : memref<1000448xf32, #tpu.memory_space<vmem_shared>> -> memref<9193xf32, #tpu.memory_space<vmem_shared>>
        %dma_start3A_202 = arith.constant 0 : i32
        %dma_start3A_203 = tpu.memref_slice %arg12[%dma_start3A_202] : memref<13312xf32, #tpu.memory_space<vmem>> -> memref<9193xf32, #tpu.memory_space<vmem>>
        tpu.enqueue_dma source(%dma_start3A_203 : memref<9193xf32, #tpu.memory_space<vmem>>) target(%dma_start3A_201 : memref<9193xf32, #tpu.memory_space<vmem_shared>>) target_semaphore(%run_scoped3A : memref<!tpu.dma_semaphore, #tpu.memory_space<semaphore_mem>>)
        %dma_wait3A_204 = arith.constant 0 : i32
        %dma_wait3A_205 = tpu.memref_slice %arg12[%dma_wait3A_204] : memref<13312xf32, #tpu.memory_space<vmem>> -> memref<9193xf32, #tpu.memory_space<vmem>>
        %dma_wait3A_206 = tpu.memref_slice %arg9[%add3A_197] : memref<1000448xf32, #tpu.memory_space<vmem_shared>> -> memref<9193xf32, #tpu.memory_space<vmem_shared>>
        %dma_wait3A_207 = tpu.memref_slice %arg9[%add3A_197] : memref<1000448xf32, #tpu.memory_space<vmem_shared>> -> memref<9193xf32, #tpu.memory_space<vmem_shared>>
        %dma_wait3A_208 = arith.constant 0 : i32
        %dma_wait3A_209 = tpu.memref_slice %arg12[%dma_wait3A_208] : memref<13312xf32, #tpu.memory_space<vmem>> -> memref<9193xf32, #tpu.memory_space<vmem>>
        tpu.wait_dma2 semaphore(%run_scoped3A : memref<!tpu.dma_semaphore, #tpu.memory_space<semaphore_mem>>) src(%dma_wait3A_209 : memref<9193xf32, #tpu.memory_space<vmem>>) dst(%dma_wait3A_207 : memref<9193xf32, #tpu.memory_space<vmem_shared>>)
        tpu.yield
      }) : () -> ()
    } else {
    }
    %ne3A = arith.constant 15 : i32
    %ne3A_126 = arith.cmpi ne, %arg1, %ne3A : i32
    %convert_element_type3A_127 = arith.extui %ne3A_126 : i1 to i32
    %cond3A_128 = arith.constant 0 : i32
    %cond3A_129 = arith.cmpi ne, %convert_element_type3A_127, %cond3A_128 : i32
    scf.if %cond3A_129 {
      %add3A_194 = arith.constant 53248 : i32
      %add3A_195 = arith.addi %mul3A_2, %add3A_194 : i32
      "tpu.region"() ({
        %run_scoped3A = tpu.sem_alloc : memref<!tpu.dma_semaphore, #tpu.memory_space<semaphore_mem>>
        %dma_start3A_198 = arith.constant 0 : i32
        %dma_start3A_199 = tpu.memref_slice %arg12[%dma_start3A_198] : memref<13312xf32, #tpu.memory_space<vmem>> -> memref<9256xf32, #tpu.memory_space<vmem>>
        %dma_start3A_200 = tpu.memref_slice %arg3[%add3A_195] : memref<1000001xf32, #tpu.memory_space<hbm>> -> memref<9256xf32, #tpu.memory_space<hbm>>
        %dma_start3A_201 = arith.constant 0 : i32
        %dma_start3A_202 = tpu.memref_slice %arg12[%dma_start3A_201] : memref<13312xf32, #tpu.memory_space<vmem>> -> memref<9256xf32, #tpu.memory_space<vmem>>
        %dma_start3A_203 = tpu.memref_slice %arg3[%add3A_195] : memref<1000001xf32, #tpu.memory_space<hbm>> -> memref<9256xf32, #tpu.memory_space<hbm>>
        tpu.enqueue_dma source(%dma_start3A_203 : memref<9256xf32, #tpu.memory_space<hbm>>) target(%dma_start3A_202 : memref<9256xf32, #tpu.memory_space<vmem>>) target_semaphore(%run_scoped3A : memref<!tpu.dma_semaphore, #tpu.memory_space<semaphore_mem>>)
        %dma_wait3A_204 = arith.constant 0 : i32
        %dma_wait3A_205 = tpu.memref_slice %arg12[%dma_wait3A_204] : memref<13312xf32, #tpu.memory_space<vmem>> -> memref<9256xf32, #tpu.memory_space<vmem>>
        %dma_wait3A_206 = tpu.memref_slice %arg3[%add3A_195] : memref<1000001xf32, #tpu.memory_space<hbm>> -> memref<9256xf32, #tpu.memory_space<hbm>>
        %dma_wait3A_207 = arith.constant 0 : i32
        %dma_wait3A_208 = tpu.memref_slice %arg12[%dma_wait3A_207] : memref<13312xf32, #tpu.memory_space<vmem>> -> memref<9256xf32, #tpu.memory_space<vmem>>
        %dma_wait3A_209 = tpu.memref_slice %arg3[%add3A_195] : memref<1000001xf32, #tpu.memory_space<hbm>> -> memref<9256xf32, #tpu.memory_space<hbm>>
        tpu.wait_dma2 semaphore(%run_scoped3A : memref<!tpu.dma_semaphore, #tpu.memory_space<semaphore_mem>>) src(%dma_wait3A_209 : memref<9256xf32, #tpu.memory_space<hbm>>) dst(%dma_wait3A_208 : memref<9256xf32, #tpu.memory_space<vmem>>)
        tpu.yield
      }) : () -> ()
      %add3A_196 = arith.constant 53248 : i32
      %add3A_197 = arith.addi %mul3A_2, %add3A_196 : i32
      "tpu.region"() ({
        %run_scoped3A = tpu.sem_alloc : memref<!tpu.dma_semaphore, #tpu.memory_space<semaphore_mem>>
        %dma_start3A_198 = arith.constant 0 : i32
        %dma_start3A_199 = tpu.memref_slice %arg12[%dma_start3A_198] : memref<13312xf32, #tpu.memory_space<vmem>> -> memref<9256xf32, #tpu.memory_space<vmem>>
        %dma_start3A_200 = tpu.memref_slice %arg9[%add3A_197] : memref<1000448xf32, #tpu.memory_space<vmem_shared>> -> memref<9256xf32, #tpu.memory_space<vmem_shared>>
        %dma_start3A_201 = tpu.memref_slice %arg9[%add3A_197] : memref<1000448xf32, #tpu.memory_space<vmem_shared>> -> memref<9256xf32, #tpu.memory_space<vmem_shared>>
        %dma_start3A_202 = arith.constant 0 : i32
        %dma_start3A_203 = tpu.memref_slice %arg12[%dma_start3A_202] : memref<13312xf32, #tpu.memory_space<vmem>> -> memref<9256xf32, #tpu.memory_space<vmem>>
        tpu.enqueue_dma source(%dma_start3A_203 : memref<9256xf32, #tpu.memory_space<vmem>>) target(%dma_start3A_201 : memref<9256xf32, #tpu.memory_space<vmem_shared>>) target_semaphore(%run_scoped3A : memref<!tpu.dma_semaphore, #tpu.memory_space<semaphore_mem>>)
        %dma_wait3A_204 = arith.constant 0 : i32
        %dma_wait3A_205 = tpu.memref_slice %arg12[%dma_wait3A_204] : memref<13312xf32, #tpu.memory_space<vmem>> -> memref<9256xf32, #tpu.memory_space<vmem>>
        %dma_wait3A_206 = tpu.memref_slice %arg9[%add3A_197] : memref<1000448xf32, #tpu.memory_space<vmem_shared>> -> memref<9256xf32, #tpu.memory_space<vmem_shared>>
        %dma_wait3A_207 = tpu.memref_slice %arg9[%add3A_197] : memref<1000448xf32, #tpu.memory_space<vmem_shared>> -> memref<9256xf32, #tpu.memory_space<vmem_shared>>
        %dma_wait3A_208 = arith.constant 0 : i32
        %dma_wait3A_209 = tpu.memref_slice %arg12[%dma_wait3A_208] : memref<13312xf32, #tpu.memory_space<vmem>> -> memref<9256xf32, #tpu.memory_space<vmem>>
        tpu.wait_dma2 semaphore(%run_scoped3A : memref<!tpu.dma_semaphore, #tpu.memory_space<semaphore_mem>>) src(%dma_wait3A_209 : memref<9256xf32, #tpu.memory_space<vmem>>) dst(%dma_wait3A_207 : memref<9256xf32, #tpu.memory_space<vmem_shared>>)
        tpu.yield
      }) : () -> ()
    } else {
    }
    %dma_wait3A_130 = arith.constant 0 : i32
    %dma_wait3A_131 = tpu.memref_slice %arg13[%dma_wait3A_130] : memref<13312xf32, #tpu.memory_space<vmem>> -> memref<13312xf32, #tpu.memory_space<vmem>>
    %dma_wait3A_132 = arith.constant 0 : i32
    %dma_wait3A_133 = tpu.memref_slice %arg9[%dma_wait3A_132] : memref<1000448xf32, #tpu.memory_space<vmem_shared>> -> memref<13312xf32, #tpu.memory_space<vmem_shared>>
    %dma_wait3A_134 = arith.constant 0 : i32
    %dma_wait3A_135 = tpu.memref_slice %arg9[%dma_wait3A_134] : memref<1000448xf32, #tpu.memory_space<vmem_shared>> -> memref<13312xf32, #tpu.memory_space<vmem_shared>>
    %dma_wait3A_136 = arith.constant 0 : i32
    %dma_wait3A_137 = tpu.memref_slice %arg13[%dma_wait3A_136] : memref<13312xf32, #tpu.memory_space<vmem>> -> memref<13312xf32, #tpu.memory_space<vmem>>
    tpu.wait_dma2 semaphore(%arg22 : memref<!tpu.dma_semaphore, #tpu.memory_space<semaphore_mem>>) src(%dma_wait3A_137 : memref<13312xf32, #tpu.memory_space<vmem>>) dst(%dma_wait3A_135 : memref<13312xf32, #tpu.memory_space<vmem_shared>>)
    "tpu.region"() ({
      %run_scoped3A = tpu.sem_alloc : memref<!tpu.dma_semaphore, #tpu.memory_space<semaphore_mem>>
      tpu.enqueue_dma source(%arg4 : memref<16xf32, #tpu.memory_space<hbm>>) target(%arg16 : memref<16xf32, #tpu.memory_space<vmem>>) target_semaphore(%run_scoped3A : memref<!tpu.dma_semaphore, #tpu.memory_space<semaphore_mem>>)
      tpu.wait_dma2 semaphore(%run_scoped3A : memref<!tpu.dma_semaphore, #tpu.memory_space<semaphore_mem>>) src(%arg4 : memref<16xf32, #tpu.memory_space<hbm>>) dst(%arg16 : memref<16xf32, #tpu.memory_space<vmem>>)
      tpu.yield
    }) : () -> ()
    "tpu.region"() ({
      %run_scoped3A = tpu.sem_alloc : memref<!tpu.dma_semaphore, #tpu.memory_space<semaphore_mem>>
      tpu.enqueue_dma source(%arg5 : memref<16xf32, #tpu.memory_space<hbm>>) target(%arg17 : memref<16xf32, #tpu.memory_space<vmem>>) target_semaphore(%run_scoped3A : memref<!tpu.dma_semaphore, #tpu.memory_space<semaphore_mem>>)
      tpu.wait_dma2 semaphore(%run_scoped3A : memref<!tpu.dma_semaphore, #tpu.memory_space<semaphore_mem>>) src(%arg5 : memref<16xf32, #tpu.memory_space<hbm>>) dst(%arg17 : memref<16xf32, #tpu.memory_space<vmem>>)
      tpu.yield
    }) : () -> ()
    "tpu.region"() ({
      %run_scoped3A = tpu.sem_alloc : memref<!tpu.dma_semaphore, #tpu.memory_space<semaphore_mem>>
      tpu.enqueue_dma source(%arg6 : memref<16xf32, #tpu.memory_space<hbm>>) target(%arg18 : memref<16xf32, #tpu.memory_space<vmem>>) target_semaphore(%run_scoped3A : memref<!tpu.dma_semaphore, #tpu.memory_space<semaphore_mem>>)
      tpu.wait_dma2 semaphore(%run_scoped3A : memref<!tpu.dma_semaphore, #tpu.memory_space<semaphore_mem>>) src(%arg6 : memref<16xf32, #tpu.memory_space<hbm>>) dst(%arg18 : memref<16xf32, #tpu.memory_space<vmem>>)
      tpu.yield
    }) : () -> ()
    %get3A = arith.constant 0 : index
    %get3A_138 = tpu.vector_load %arg16[%get3A] {strides = array<i32>} : memref<16xf32, #tpu.memory_space<vmem>>, vector<16xf32>,
    %get3A_139 = vector.shape_cast %get3A_138 : vector<16xf32> to vector<16xf32>
    %get3A_140 = arith.constant 0 : index
    %get3A_141 = tpu.vector_load %arg17[%get3A_140] {strides = array<i32>} : memref<16xf32, #tpu.memory_space<vmem>>, vector<16xf32>,
    %get3A_142 = vector.shape_cast %get3A_141 : vector<16xf32> to vector<16xf32>
    %get3A_143 = arith.constant 0 : index
    %get3A_144 = tpu.vector_load %arg18[%get3A_143] {strides = array<i32>} : memref<16xf32, #tpu.memory_space<vmem>>, vector<16xf32>,
    %get3A_145 = vector.shape_cast %get3A_144 : vector<16xf32> to vector<16xf32>
    %barrier3A = arith.constant 0 : index
    tpu.barrier barrier_id(%barrier3A)
    %mul3A_146 = arith.constant 8 : i32
    %mul3A_147 = arith.muli %add3A, %mul3A_146 : i32
    %mul3A_148 = arith.constant 13312 : i32
    %mul3A_149 = arith.muli %mul3A_147, %mul3A_148 : i32
    "tpu.region"() ({
      %run_scoped3A = tpu.sem_alloc : memref<!tpu.dma_semaphore, #tpu.memory_space<semaphore_mem>>
      %dma_start3A_194 = tpu.memref_slice %arg2[%mul3A_149] : memref<3407872xi32, #tpu.memory_space<hbm>> -> memref<13312xi32, #tpu.memory_space<hbm>>
      %dma_start3A_195 = tpu.memref_slice %arg2[%mul3A_149] : memref<3407872xi32, #tpu.memory_space<hbm>> -> memref<13312xi32, #tpu.memory_space<hbm>>
      tpu.enqueue_dma source(%dma_start3A_195 : memref<13312xi32, #tpu.memory_space<hbm>>) target(%arg10 : memref<13312xi32, #tpu.memory_space<vmem>>) target_semaphore(%run_scoped3A : memref<!tpu.dma_semaphore, #tpu.memory_space<semaphore_mem>>)
      %dma_wait3A_196 = tpu.memref_slice %arg2[%mul3A_149] : memref<3407872xi32, #tpu.memory_space<hbm>> -> memref<13312xi32, #tpu.memory_space<hbm>>
      %dma_wait3A_197 = tpu.memref_slice %arg2[%mul3A_149] : memref<3407872xi32, #tpu.memory_space<hbm>> -> memref<13312xi32, #tpu.memory_space<hbm>>
      tpu.wait_dma2 semaphore(%run_scoped3A : memref<!tpu.dma_semaphore, #tpu.memory_space<semaphore_mem>>) src(%dma_wait3A_197 : memref<13312xi32, #tpu.memory_space<hbm>>) dst(%arg10 : memref<13312xi32, #tpu.memory_space<vmem>>)
      tpu.yield
    }) : () -> ()
    %dma_start3A_150 = arith.constant 0 : i32
    %dma_start3A_151 = tpu.memref_slice %arg12[%dma_start3A_150] : memref<13312xf32, #tpu.memory_space<vmem>> -> memref<5120xf32, #tpu.memory_space<vmem>>
    %dma_start3A_152 = arith.constant 0 : i32
    %dma_start3A_153 = tpu.memref_slice %arg10[%dma_start3A_152] : memref<13312xi32, #tpu.memory_space<vmem>> -> memref<5120xi32, #tpu.memory_space<vmem>>
    %dma_start3A_154 = arith.constant 0 : i32
    %dma_start3A_155 = tpu.memref_slice %arg3[%dma_start3A_154] : memref<1000001xf32, #tpu.memory_space<hbm>> -> memref<1000001xf32, #tpu.memory_space<hbm>>
    tpu.enqueue_indirect_dma source(%dma_start3A_155 : memref<1000001xf32, #tpu.memory_space<hbm>>) target(%dma_start3A_151 : memref<5120xf32, #tpu.memory_space<vmem>>) offsets(%dma_start3A_153 : memref<5120xi32, #tpu.memory_space<vmem>>) semaphore(%arg23 : memref<!tpu.dma_semaphore, #tpu.memory_space<semaphore_mem>>)
    %dma_start3A_156 = arith.constant 5120 : i32
    %dma_start3A_157 = tpu.memref_slice %arg12[%dma_start3A_156] : memref<13312xf32, #tpu.memory_space<vmem>> -> memref<8192xf32, #tpu.memory_space<vmem>>
    %dma_start3A_158 = arith.constant 5120 : i32
    %dma_start3A_159 = tpu.memref_slice %arg10[%dma_start3A_158] : memref<13312xi32, #tpu.memory_space<vmem>> -> memref<8192xi32, #tpu.memory_space<vmem>>
    %dma_start3A_160 = arith.constant 0 : i32
    %dma_start3A_161 = tpu.memref_slice %arg9[%dma_start3A_160] : memref<1000448xf32, #tpu.memory_space<vmem_shared>> -> memref<1000448xf32, #tpu.memory_space<vmem_shared>>
    tpu.enqueue_indirect_dma source(%dma_start3A_161 : memref<1000448xf32, #tpu.memory_space<vmem_shared>>) target(%dma_start3A_157 : memref<8192xf32, #tpu.memory_space<vmem>>) offsets(%dma_start3A_159 : memref<8192xi32, #tpu.memory_space<vmem>>) semaphore(%arg21 : memref<!tpu.dma_semaphore, #tpu.memory_space<semaphore_mem>>)
    %min3A = arith.constant 1 : i32
    %min3A_162 = arith.constant 7 : i32
    %min3A_163 = arith.minsi %min3A, %min3A_162 : i32
    %mul3A_164 = arith.constant 8 : i32
    %mul3A_165 = arith.muli %add3A, %mul3A_164 : i32
    %add3A_166 = arith.addi %mul3A_165, %min3A_163 : i32
    %mul3A_167 = arith.constant 13312 : i32
    %mul3A_168 = arith.muli %add3A_166, %mul3A_167 : i32
    %dma_start3A_169 = tpu.memref_slice %arg2[%mul3A_168] : memref<3407872xi32, #tpu.memory_space<hbm>> -> memref<13312xi32, #tpu.memory_space<hbm>>
    %dma_start3A_170 = tpu.memref_slice %arg2[%mul3A_168] : memref<3407872xi32, #tpu.memory_space<hbm>> -> memref<13312xi32, #tpu.memory_space<hbm>>
    tpu.enqueue_dma source(%dma_start3A_170 : memref<13312xi32, #tpu.memory_space<hbm>>) target(%arg11 : memref<13312xi32, #tpu.memory_space<vmem>>) target_semaphore(%arg20 : memref<!tpu.dma_semaphore, #tpu.memory_space<semaphore_mem>>)
    %scan3A = arith.constant 0 : i32
    %scan3A_171 = arith.constant 0 : i32
    %scan3A_172 = arith.constant 4 : i32
    %scan3A_173 = arith.addi %scan3A_171, %scan3A_172 : i32
    %scan3A_174 = arith.constant 1 : i32
    scf.for %scan3A_194 = %scan3A_171 to %scan3A_173 step %scan3A_174  : i32 {
      %mul3A_195 = arith.constant 2 : i32
      %mul3A_196 = arith.muli %mul3A_195, %scan3A_194 : i32
      %add3A_197 = arith.constant 1 : i32
      %add3A_198 = arith.addi %mul3A_196, %add3A_197 : i32
      %dma_wait3A_199 = arith.constant 0 : i32
      %dma_wait3A_200 = tpu.memref_slice %arg12[%dma_wait3A_199] : memref<13312xf32, #tpu.memory_space<vmem>> -> memref<5120xf32, #tpu.memory_space<vmem>>
      %dma_wait3A_201 = arith.constant 0 : i32
      %dma_wait3A_202 = tpu.memref_slice %arg10[%dma_wait3A_201] : memref<13312xi32, #tpu.memory_space<vmem>> -> memref<5120xi32, #tpu.memory_space<vmem>>
      %dma_wait3A_203 = arith.constant 0 : i32
      %dma_wait3A_204 = tpu.memref_slice %arg3[%dma_wait3A_203] : memref<1000001xf32, #tpu.memory_space<hbm>> -> memref<1000001xf32, #tpu.memory_space<hbm>>
      tpu.wait_indirect_dma semaphore(%arg23 : memref<!tpu.dma_semaphore, #tpu.memory_space<semaphore_mem>>) src(%dma_wait3A_204 : memref<1000001xf32, #tpu.memory_space<hbm>>) dst(%dma_wait3A_200 : memref<5120xf32, #tpu.memory_space<vmem>>)
      %dma_wait3A_205 = arith.constant 5120 : i32
      %dma_wait3A_206 = tpu.memref_slice %arg12[%dma_wait3A_205] : memref<13312xf32, #tpu.memory_space<vmem>> -> memref<8192xf32, #tpu.memory_space<vmem>>
      %dma_wait3A_207 = arith.constant 5120 : i32
      %dma_wait3A_208 = tpu.memref_slice %arg10[%dma_wait3A_207] : memref<13312xi32, #tpu.memory_space<vmem>> -> memref<8192xi32, #tpu.memory_space<vmem>>
      %dma_wait3A_209 = arith.constant 0 : i32
      %dma_wait3A_210 = tpu.memref_slice %arg9[%dma_wait3A_209] : memref<1000448xf32, #tpu.memory_space<vmem_shared>> -> memref<1000448xf32, #tpu.memory_space<vmem_shared>>
      tpu.wait_indirect_dma semaphore(%arg21 : memref<!tpu.dma_semaphore, #tpu.memory_space<semaphore_mem>>) src(%dma_wait3A_210 : memref<1000448xf32, #tpu.memory_space<vmem_shared>>) dst(%dma_wait3A_206 : memref<8192xf32, #tpu.memory_space<vmem>>)
      %add3A_211 = arith.constant 2 : i32
      %add3A_212 = arith.addi %mul3A_196, %add3A_211 : i32
      %min3A_213 = arith.constant 7 : i32
      %min3A_214 = arith.minsi %add3A_212, %min3A_213 : i32
      %mul3A_215 = arith.constant 8 : i32
      %mul3A_216 = arith.muli %add3A, %mul3A_215 : i32
      %add3A_217 = arith.addi %mul3A_216, %min3A_214 : i32
      %mul3A_218 = arith.constant 13312 : i32
      %mul3A_219 = arith.muli %add3A_217, %mul3A_218 : i32
      %dma_start3A_220 = tpu.memref_slice %arg2[%mul3A_219] : memref<3407872xi32, #tpu.memory_space<hbm>> -> memref<13312xi32, #tpu.memory_space<hbm>>
      %dma_start3A_221 = tpu.memref_slice %arg2[%mul3A_219] : memref<3407872xi32, #tpu.memory_space<hbm>> -> memref<13312xi32, #tpu.memory_space<hbm>>
      tpu.enqueue_dma source(%dma_start3A_221 : memref<13312xi32, #tpu.memory_space<hbm>>) target(%arg10 : memref<13312xi32, #tpu.memory_space<vmem>>) target_semaphore(%arg19 : memref<!tpu.dma_semaphore, #tpu.memory_space<semaphore_mem>>)
      %dma_wait3A_222 = arith.constant 0 : i32
      %dma_wait3A_223 = tpu.memref_slice %arg2[%dma_wait3A_222] : memref<3407872xi32, #tpu.memory_space<hbm>> -> memref<13312xi32, #tpu.memory_space<hbm>>
      %dma_wait3A_224 = arith.constant 0 : i32
      %dma_wait3A_225 = tpu.memref_slice %arg2[%dma_wait3A_224] : memref<3407872xi32, #tpu.memory_space<hbm>> -> memref<13312xi32, #tpu.memory_space<hbm>>
      tpu.wait_dma2 semaphore(%arg20 : memref<!tpu.dma_semaphore, #tpu.memory_space<semaphore_mem>>) src(%dma_wait3A_225 : memref<13312xi32, #tpu.memory_space<hbm>>) dst(%arg11 : memref<13312xi32, #tpu.memory_space<vmem>>)
      %dma_start3A_226 = arith.constant 0 : i32
      %dma_start3A_227 = tpu.memref_slice %arg13[%dma_start3A_226] : memref<13312xf32, #tpu.memory_space<vmem>> -> memref<5120xf32, #tpu.memory_space<vmem>>
      %dma_start3A_228 = arith.constant 0 : i32
      %dma_start3A_229 = tpu.memref_slice %arg11[%dma_start3A_228] : memref<13312xi32, #tpu.memory_space<vmem>> -> memref<5120xi32, #tpu.memory_space<vmem>>
      %dma_start3A_230 = arith.constant 0 : i32
      %dma_start3A_231 = tpu.memref_slice %arg3[%dma_start3A_230] : memref<1000001xf32, #tpu.memory_space<hbm>> -> memref<1000001xf32, #tpu.memory_space<hbm>>
      tpu.enqueue_indirect_dma source(%dma_start3A_231 : memref<1000001xf32, #tpu.memory_space<hbm>>) target(%dma_start3A_227 : memref<5120xf32, #tpu.memory_space<vmem>>) offsets(%dma_start3A_229 : memref<5120xi32, #tpu.memory_space<vmem>>) semaphore(%arg24 : memref<!tpu.dma_semaphore, #tpu.memory_space<semaphore_mem>>)
      %dma_start3A_232 = arith.constant 5120 : i32
      %dma_start3A_233 = tpu.memref_slice %arg13[%dma_start3A_232] : memref<13312xf32, #tpu.memory_space<vmem>> -> memref<8192xf32, #tpu.memory_space<vmem>>
      %dma_start3A_234 = arith.constant 5120 : i32
      %dma_start3A_235 = tpu.memref_slice %arg11[%dma_start3A_234] : memref<13312xi32, #tpu.memory_space<vmem>> -> memref<8192xi32, #tpu.memory_space<vmem>>
      %dma_start3A_236 = arith.constant 0 : i32
      %dma_start3A_237 = tpu.memref_slice %arg9[%dma_start3A_236] : memref<1000448xf32, #tpu.memory_space<vmem_shared>> -> memref<1000448xf32, #tpu.memory_space<vmem_shared>>
      tpu.enqueue_indirect_dma source(%dma_start3A_237 : memref<1000448xf32, #tpu.memory_space<vmem_shared>>) target(%dma_start3A_233 : memref<8192xf32, #tpu.memory_space<vmem>>) offsets(%dma_start3A_235 : memref<8192xi32, #tpu.memory_space<vmem>>) semaphore(%arg22 : memref<!tpu.dma_semaphore, #tpu.memory_space<semaphore_mem>>)
      %broadcast_in_dim3A = arith.constant 0.000000e+00 : f32
      %broadcast_in_dim3A_238 = vector.broadcast %broadcast_in_dim3A : f32 to vector<16xf32>
      %broadcast_in_dim3A_239 = arith.constant 0.000000e+00 : f32
      %broadcast_in_dim3A_240 = vector.broadcast %broadcast_in_dim3A_239 : f32 to vector<16xf32>
      %broadcast_in_dim3A_241 = arith.constant 0.000000e+00 : f32
      %broadcast_in_dim3A_242 = vector.broadcast %broadcast_in_dim3A_241 : f32 to vector<16xf32>
      %broadcast_in_dim3A_243 = arith.constant 0.000000e+00 : f32
      %broadcast_in_dim3A_244 = vector.broadcast %broadcast_in_dim3A_243 : f32 to vector<16xf32>
      %scan3A_245 = arith.constant 0 : i32
      %scan3A_246 = arith.constant 208 : i32
      %scan3A_247 = arith.addi %scan3A_245, %scan3A_246 : i32
      %scan3A_248 = arith.constant 1 : i32
      %scan3A_249:4 = scf.for %scan3A_494 = %scan3A_245 to %scan3A_247 step %scan3A_248 iter_args(%scan3A_495 = %broadcast_in_dim3A_238, %scan3A_496 = %broadcast_in_dim3A_240, %scan3A_497 = %broadcast_in_dim3A_242, %scan3A_498 = %broadcast_in_dim3A_244) -> (vector<16xf32>, vector<16xf32>, vector<16xf32>, vector<16xf32>)  : i32 {
        %mul3A_499 = arith.constant 4 : i32
        %mul3A_500 = arith.muli %scan3A_494, %mul3A_499 : i32
        %add3A_501 = arith.constant 0 : i32
        %add3A_502 = arith.addi %mul3A_500, %add3A_501 : i32
        %mul3A_503 = arith.constant 16 : i32
        %mul3A_504 = arith.muli %add3A_502, %mul3A_503 : i32
        %get3A_505 = arith.index_cast %mul3A_504 : i32 to index
        %get3A_506 = tpu.vector_load %arg12[%get3A_505] {strides = array<i32>} : memref<13312xf32, #tpu.memory_space<vmem>>, vector<16xf32>,
        %get3A_507 = vector.shape_cast %get3A_506 : vector<16xf32> to vector<16xf32>
        %add3A_508 = arith.addf %scan3A_495, %get3A_507 : vector<16xf32>
        %mul3A_509 = arith.constant 4 : i32
        %mul3A_510 = arith.muli %scan3A_494, %mul3A_509 : i32
        %add3A_511 = arith.constant 1 : i32
        %add3A_512 = arith.addi %mul3A_510, %add3A_511 : i32
        %mul3A_513 = arith.constant 16 : i32
        %mul3A_514 = arith.muli %add3A_512, %mul3A_513 : i32
        %get3A_515 = arith.index_cast %mul3A_514 : i32 to index
        %get3A_516 = tpu.vector_load %arg12[%get3A_515] {strides = array<i32>} : memref<13312xf32, #tpu.memory_space<vmem>>, vector<16xf32>,
        %get3A_517 = vector.shape_cast %get3A_516 : vector<16xf32> to vector<16xf32>
        %add3A_518 = arith.addf %scan3A_496, %get3A_517 : vector<16xf32>
        %mul3A_519 = arith.constant 4 : i32
        %mul3A_520 = arith.muli %scan3A_494, %mul3A_519 : i32
        %add3A_521 = arith.constant 2 : i32
        %add3A_522 = arith.addi %mul3A_520, %add3A_521 : i32
        %mul3A_523 = arith.constant 16 : i32
        %mul3A_524 = arith.muli %add3A_522, %mul3A_523 : i32
        %get3A_525 = arith.index_cast %mul3A_524 : i32 to index
        %get3A_526 = tpu.vector_load %arg12[%get3A_525] {strides = array<i32>} : memref<13312xf32, #tpu.memory_space<vmem>>, vector<16xf32>,
        %get3A_527 = vector.shape_cast %get3A_526 : vector<16xf32> to vector<16xf32>
        %add3A_528 = arith.addf %scan3A_497, %get3A_527 : vector<16xf32>
        %mul3A_529 = arith.constant 4 : i32
        %mul3A_530 = arith.muli %scan3A_494, %mul3A_529 : i32
        %add3A_531 = arith.constant 3 : i32
        %add3A_532 = arith.addi %mul3A_530, %add3A_531 : i32
        %mul3A_533 = arith.constant 16 : i32
        %mul3A_534 = arith.muli %add3A_532, %mul3A_533 : i32
        %get3A_535 = arith.index_cast %mul3A_534 : i32 to index
        %get3A_536 = tpu.vector_load %arg12[%get3A_535] {strides = array<i32>} : memref<13312xf32, #tpu.memory_space<vmem>>, vector<16xf32>,
        %get3A_537 = vector.shape_cast %get3A_536 : vector<16xf32> to vector<16xf32>
        %add3A_538 = arith.addf %scan3A_498, %get3A_537 : vector<16xf32>
        scf.yield %add3A_508, %add3A_518, %add3A_528, %add3A_538 : vector<16xf32>, vector<16xf32>, vector<16xf32>, vector<16xf32>
      }
      %scan3A_250 = arith.constant 208 : i32
      %mul3A_251 = arith.mulf %scan3A_249#0, %get3A_139 : vector<16xf32>
      %add3A_252 = arith.addf %mul3A_251, %get3A_142 : vector<16xf32>
      %ge3A = arith.cmpf oge, %add3A_252, %get3A_145 : vector<16xf32>
      %jit3A_253 = arith.constant 1 : i32
      %jit3A_254 = arith.constant 0 : i32
      %broadcast_in_dim3A_255 = vector.broadcast %jit3A_253 : i32 to vector<16xi32>
      %broadcast_in_dim3A_256 = vector.broadcast %jit3A_254 : i32 to vector<16xi32>
      %select_n3A_257 = arith.select %ge3A, %broadcast_in_dim3A_255, %broadcast_in_dim3A_256 : vector<16xi1>, vector<16xi32>
      %mul3A_258 = arith.constant 64 : i32
      %mul3A_259 = arith.muli %mul3A_196, %mul3A_258 : i32
      %add3A_260 = arith.constant 0 : i32
      %add3A_261 = arith.addi %mul3A_259, %add3A_260 : i32
      %swap3A = arith.index_cast %add3A_261 : i32 to index
      %swap3A_262 = tpu.vector_load %arg14[%swap3A] {strides = array<i32>} : memref<512xf32, #tpu.memory_space<vmem>>, vector<16xf32>,
      %swap3A_263 = vector.shape_cast %swap3A_262 : vector<16xf32> to vector<16xf32>
      %swap3A_264 = vector.shape_cast %add3A_252 : vector<16xf32> to vector<16xf32>
      tpu.vector_store %arg14[%swap3A], %swap3A_264 {strides = array<i32>} : memref<512xf32, #tpu.memory_space<vmem>>, vector<16xf32>,
      %mul3A_265 = arith.constant 64 : i32
      %mul3A_266 = arith.muli %mul3A_196, %mul3A_265 : i32
      %add3A_267 = arith.constant 0 : i32
      %add3A_268 = arith.addi %mul3A_266, %add3A_267 : i32
      %swap3A_269 = arith.index_cast %add3A_268 : i32 to index
      %swap3A_270 = tpu.vector_load %arg15[%swap3A_269] {strides = array<i32>} : memref<512xi32, #tpu.memory_space<vmem>>, vector<16xi32>,
      %swap3A_271 = vector.shape_cast %swap3A_270 : vector<16xi32> to vector<16xi32>
      %swap3A_272 = vector.shape_cast %select_n3A_257 : vector<16xi32> to vector<16xi32>
      tpu.vector_store %arg15[%swap3A_269], %swap3A_272 {strides = array<i32>} : memref<512xi32, #tpu.memory_space<vmem>>, vector<16xi32>,
      %mul3A_273 = arith.mulf %scan3A_249#1, %get3A_139 : vector<16xf32>
      %add3A_274 = arith.addf %mul3A_273, %get3A_142 : vector<16xf32>
      %ge3A_275 = arith.cmpf oge, %add3A_274, %get3A_145 : vector<16xf32>
      %jit3A_276 = arith.constant 1 : i32
      %jit3A_277 = arith.constant 0 : i32
      %broadcast_in_dim3A_278 = vector.broadcast %jit3A_276 : i32 to vector<16xi32>
      %broadcast_in_dim3A_279 = vector.broadcast %jit3A_277 : i32 to vector<16xi32>
      %select_n3A_280 = arith.select %ge3A_275, %broadcast_in_dim3A_278, %broadcast_in_dim3A_279 : vector<16xi1>, vector<16xi32>
      %mul3A_281 = arith.constant 64 : i32
      %mul3A_282 = arith.muli %mul3A_196, %mul3A_281 : i32
      %add3A_283 = arith.constant 16 : i32
      %add3A_284 = arith.addi %mul3A_282, %add3A_283 : i32
      %swap3A_285 = arith.index_cast %add3A_284 : i32 to index
      %swap3A_286 = tpu.vector_load %arg14[%swap3A_285] {strides = array<i32>} : memref<512xf32, #tpu.memory_space<vmem>>, vector<16xf32>,
      %swap3A_287 = vector.shape_cast %swap3A_286 : vector<16xf32> to vector<16xf32>
      %swap3A_288 = vector.shape_cast %add3A_274 : vector<16xf32> to vector<16xf32>
      tpu.vector_store %arg14[%swap3A_285], %swap3A_288 {strides = array<i32>} : memref<512xf32, #tpu.memory_space<vmem>>, vector<16xf32>,
      %mul3A_289 = arith.constant 64 : i32
      %mul3A_290 = arith.muli %mul3A_196, %mul3A_289 : i32
      %add3A_291 = arith.constant 16 : i32
      %add3A_292 = arith.addi %mul3A_290, %add3A_291 : i32
      %swap3A_293 = arith.index_cast %add3A_292 : i32 to index
      %swap3A_294 = tpu.vector_load %arg15[%swap3A_293] {strides = array<i32>} : memref<512xi32, #tpu.memory_space<vmem>>, vector<16xi32>,
      %swap3A_295 = vector.shape_cast %swap3A_294 : vector<16xi32> to vector<16xi32>
      %swap3A_296 = vector.shape_cast %select_n3A_280 : vector<16xi32> to vector<16xi32>
      tpu.vector_store %arg15[%swap3A_293], %swap3A_296 {strides = array<i32>} : memref<512xi32, #tpu.memory_space<vmem>>, vector<16xi32>,
      %mul3A_297 = arith.mulf %scan3A_249#2, %get3A_139 : vector<16xf32>
      %add3A_298 = arith.addf %mul3A_297, %get3A_142 : vector<16xf32>
      %ge3A_299 = arith.cmpf oge, %add3A_298, %get3A_145 : vector<16xf32>
      %jit3A_300 = arith.constant 1 : i32
      %jit3A_301 = arith.constant 0 : i32
      %broadcast_in_dim3A_302 = vector.broadcast %jit3A_300 : i32 to vector<16xi32>
      %broadcast_in_dim3A_303 = vector.broadcast %jit3A_301 : i32 to vector<16xi32>
      %select_n3A_304 = arith.select %ge3A_299, %broadcast_in_dim3A_302, %broadcast_in_dim3A_303 : vector<16xi1>, vector<16xi32>
      %mul3A_305 = arith.constant 64 : i32
      %mul3A_306 = arith.muli %mul3A_196, %mul3A_305 : i32
      %add3A_307 = arith.constant 32 : i32
      %add3A_308 = arith.addi %mul3A_306, %add3A_307 : i32
      %swap3A_309 = arith.index_cast %add3A_308 : i32 to index
      %swap3A_310 = tpu.vector_load %arg14[%swap3A_309] {strides = array<i32>} : memref<512xf32, #tpu.memory_space<vmem>>, vector<16xf32>,
      %swap3A_311 = vector.shape_cast %swap3A_310 : vector<16xf32> to vector<16xf32>
      %swap3A_312 = vector.shape_cast %add3A_298 : vector<16xf32> to vector<16xf32>
      tpu.vector_store %arg14[%swap3A_309], %swap3A_312 {strides = array<i32>} : memref<512xf32, #tpu.memory_space<vmem>>, vector<16xf32>,
      %mul3A_313 = arith.constant 64 : i32
      %mul3A_314 = arith.muli %mul3A_196, %mul3A_313 : i32
      %add3A_315 = arith.constant 32 : i32
      %add3A_316 = arith.addi %mul3A_314, %add3A_315 : i32
      %swap3A_317 = arith.index_cast %add3A_316 : i32 to index
      %swap3A_318 = tpu.vector_load %arg15[%swap3A_317] {strides = array<i32>} : memref<512xi32, #tpu.memory_space<vmem>>, vector<16xi32>,
      %swap3A_319 = vector.shape_cast %swap3A_318 : vector<16xi32> to vector<16xi32>
      %swap3A_320 = vector.shape_cast %select_n3A_304 : vector<16xi32> to vector<16xi32>
      tpu.vector_store %arg15[%swap3A_317], %swap3A_320 {strides = array<i32>} : memref<512xi32, #tpu.memory_space<vmem>>, vector<16xi32>,
      %mul3A_321 = arith.mulf %scan3A_249#3, %get3A_139 : vector<16xf32>
      %add3A_322 = arith.addf %mul3A_321, %get3A_142 : vector<16xf32>
      %ge3A_323 = arith.cmpf oge, %add3A_322, %get3A_145 : vector<16xf32>
      %jit3A_324 = arith.constant 1 : i32
      %jit3A_325 = arith.constant 0 : i32
      %broadcast_in_dim3A_326 = vector.broadcast %jit3A_324 : i32 to vector<16xi32>
      %broadcast_in_dim3A_327 = vector.broadcast %jit3A_325 : i32 to vector<16xi32>
      %select_n3A_328 = arith.select %ge3A_323, %broadcast_in_dim3A_326, %broadcast_in_dim3A_327 : vector<16xi1>, vector<16xi32>
      %mul3A_329 = arith.constant 64 : i32
      %mul3A_330 = arith.muli %mul3A_196, %mul3A_329 : i32
      %add3A_331 = arith.constant 48 : i32
      %add3A_332 = arith.addi %mul3A_330, %add3A_331 : i32
      %swap3A_333 = arith.index_cast %add3A_332 : i32 to index
      %swap3A_334 = tpu.vector_load %arg14[%swap3A_333] {strides = array<i32>} : memref<512xf32, #tpu.memory_space<vmem>>, vector<16xf32>,
      %swap3A_335 = vector.shape_cast %swap3A_334 : vector<16xf32> to vector<16xf32>
      %swap3A_336 = vector.shape_cast %add3A_322 : vector<16xf32> to vector<16xf32>
      tpu.vector_store %arg14[%swap3A_333], %swap3A_336 {strides = array<i32>} : memref<512xf32, #tpu.memory_space<vmem>>, vector<16xf32>,
      %mul3A_337 = arith.constant 64 : i32
      %mul3A_338 = arith.muli %mul3A_196, %mul3A_337 : i32
      %add3A_339 = arith.constant 48 : i32
      %add3A_340 = arith.addi %mul3A_338, %add3A_339 : i32
      %swap3A_341 = arith.index_cast %add3A_340 : i32 to index
      %swap3A_342 = tpu.vector_load %arg15[%swap3A_341] {strides = array<i32>} : memref<512xi32, #tpu.memory_space<vmem>>, vector<16xi32>,
      %swap3A_343 = vector.shape_cast %swap3A_342 : vector<16xi32> to vector<16xi32>
      %swap3A_344 = vector.shape_cast %select_n3A_328 : vector<16xi32> to vector<16xi32>
      tpu.vector_store %arg15[%swap3A_341], %swap3A_344 {strides = array<i32>} : memref<512xi32, #tpu.memory_space<vmem>>, vector<16xi32>,
      %dma_wait3A_345 = arith.constant 0 : i32
      %dma_wait3A_346 = tpu.memref_slice %arg13[%dma_wait3A_345] : memref<13312xf32, #tpu.memory_space<vmem>> -> memref<5120xf32, #tpu.memory_space<vmem>>
      %dma_wait3A_347 = arith.constant 0 : i32
      %dma_wait3A_348 = tpu.memref_slice %arg11[%dma_wait3A_347] : memref<13312xi32, #tpu.memory_space<vmem>> -> memref<5120xi32, #tpu.memory_space<vmem>>
      %dma_wait3A_349 = arith.constant 0 : i32
      %dma_wait3A_350 = tpu.memref_slice %arg3[%dma_wait3A_349] : memref<1000001xf32, #tpu.memory_space<hbm>> -> memref<1000001xf32, #tpu.memory_space<hbm>>
      tpu.wait_indirect_dma semaphore(%arg24 : memref<!tpu.dma_semaphore, #tpu.memory_space<semaphore_mem>>) src(%dma_wait3A_350 : memref<1000001xf32, #tpu.memory_space<hbm>>) dst(%dma_wait3A_346 : memref<5120xf32, #tpu.memory_space<vmem>>)
      %dma_wait3A_351 = arith.constant 5120 : i32
      %dma_wait3A_352 = tpu.memref_slice %arg13[%dma_wait3A_351] : memref<13312xf32, #tpu.memory_space<vmem>> -> memref<8192xf32, #tpu.memory_space<vmem>>
      %dma_wait3A_353 = arith.constant 5120 : i32
      %dma_wait3A_354 = tpu.memref_slice %arg11[%dma_wait3A_353] : memref<13312xi32, #tpu.memory_space<vmem>> -> memref<8192xi32, #tpu.memory_space<vmem>>
      %dma_wait3A_355 = arith.constant 0 : i32
      %dma_wait3A_356 = tpu.memref_slice %arg9[%dma_wait3A_355] : memref<1000448xf32, #tpu.memory_space<vmem_shared>> -> memref<1000448xf32, #tpu.memory_space<vmem_shared>>
      tpu.wait_indirect_dma semaphore(%arg22 : memref<!tpu.dma_semaphore, #tpu.memory_space<semaphore_mem>>) src(%dma_wait3A_356 : memref<1000448xf32, #tpu.memory_space<vmem_shared>>) dst(%dma_wait3A_352 : memref<8192xf32, #tpu.memory_space<vmem>>)
      %add3A_357 = arith.constant 2 : i32
      %add3A_358 = arith.addi %add3A_198, %add3A_357 : i32
      %min3A_359 = arith.constant 7 : i32
      %min3A_360 = arith.minsi %add3A_358, %min3A_359 : i32
      %mul3A_361 = arith.constant 8 : i32
      %mul3A_362 = arith.muli %add3A, %mul3A_361 : i32
      %add3A_363 = arith.addi %mul3A_362, %min3A_360 : i32
      %mul3A_364 = arith.constant 13312 : i32
      %mul3A_365 = arith.muli %add3A_363, %mul3A_364 : i32
      %dma_start3A_366 = tpu.memref_slice %arg2[%mul3A_365] : memref<3407872xi32, #tpu.memory_space<hbm>> -> memref<13312xi32, #tpu.memory_space<hbm>>
      %dma_start3A_367 = tpu.memref_slice %arg2[%mul3A_365] : memref<3407872xi32, #tpu.memory_space<hbm>> -> memref<13312xi32, #tpu.memory_space<hbm>>
      tpu.enqueue_dma source(%dma_start3A_367 : memref<13312xi32, #tpu.memory_space<hbm>>) target(%arg11 : memref<13312xi32, #tpu.memory_space<vmem>>) target_semaphore(%arg20 : memref<!tpu.dma_semaphore, #tpu.memory_space<semaphore_mem>>)
      %dma_wait3A_368 = arith.constant 0 : i32
      %dma_wait3A_369 = tpu.memref_slice %arg2[%dma_wait3A_368] : memref<3407872xi32, #tpu.memory_space<hbm>> -> memref<13312xi32, #tpu.memory_space<hbm>>
      %dma_wait3A_370 = arith.constant 0 : i32
      %dma_wait3A_371 = tpu.memref_slice %arg2[%dma_wait3A_370] : memref<3407872xi32, #tpu.memory_space<hbm>> -> memref<13312xi32, #tpu.memory_space<hbm>>
      tpu.wait_dma2 semaphore(%arg19 : memref<!tpu.dma_semaphore, #tpu.memory_space<semaphore_mem>>) src(%dma_wait3A_371 : memref<13312xi32, #tpu.memory_space<hbm>>) dst(%arg10 : memref<13312xi32, #tpu.memory_space<vmem>>)
      %dma_start3A_372 = arith.constant 0 : i32
      %dma_start3A_373 = tpu.memref_slice %arg12[%dma_start3A_372] : memref<13312xf32, #tpu.memory_space<vmem>> -> memref<5120xf32, #tpu.memory_space<vmem>>
      %dma_start3A_374 = arith.constant 0 : i32
      %dma_start3A_375 = tpu.memref_slice %arg10[%dma_start3A_374] : memref<13312xi32, #tpu.memory_space<vmem>> -> memref<5120xi32, #tpu.memory_space<vmem>>
      %dma_start3A_376 = arith.constant 0 : i32
      %dma_start3A_377 = tpu.memref_slice %arg3[%dma_start3A_376] : memref<1000001xf32, #tpu.memory_space<hbm>> -> memref<1000001xf32, #tpu.memory_space<hbm>>
      tpu.enqueue_indirect_dma source(%dma_start3A_377 : memref<1000001xf32, #tpu.memory_space<hbm>>) target(%dma_start3A_373 : memref<5120xf32, #tpu.memory_space<vmem>>) offsets(%dma_start3A_375 : memref<5120xi32, #tpu.memory_space<vmem>>) semaphore(%arg23 : memref<!tpu.dma_semaphore, #tpu.memory_space<semaphore_mem>>)
      %dma_start3A_378 = arith.constant 5120 : i32
      %dma_start3A_379 = tpu.memref_slice %arg12[%dma_start3A_378] : memref<13312xf32, #tpu.memory_space<vmem>> -> memref<8192xf32, #tpu.memory_space<vmem>>
      %dma_start3A_380 = arith.constant 5120 : i32
      %dma_start3A_381 = tpu.memref_slice %arg10[%dma_start3A_380] : memref<13312xi32, #tpu.memory_space<vmem>> -> memref<8192xi32, #tpu.memory_space<vmem>>
      %dma_start3A_382 = arith.constant 0 : i32
      %dma_start3A_383 = tpu.memref_slice %arg9[%dma_start3A_382] : memref<1000448xf32, #tpu.memory_space<vmem_shared>> -> memref<1000448xf32, #tpu.memory_space<vmem_shared>>
      tpu.enqueue_indirect_dma source(%dma_start3A_383 : memref<1000448xf32, #tpu.memory_space<vmem_shared>>) target(%dma_start3A_379 : memref<8192xf32, #tpu.memory_space<vmem>>) offsets(%dma_start3A_381 : memref<8192xi32, #tpu.memory_space<vmem>>) semaphore(%arg21 : memref<!tpu.dma_semaphore, #tpu.memory_space<semaphore_mem>>)
      %broadcast_in_dim3A_384 = arith.constant 0.000000e+00 : f32
      %broadcast_in_dim3A_385 = vector.broadcast %broadcast_in_dim3A_384 : f32 to vector<16xf32>
      %broadcast_in_dim3A_386 = arith.constant 0.000000e+00 : f32
      %broadcast_in_dim3A_387 = vector.broadcast %broadcast_in_dim3A_386 : f32 to vector<16xf32>
      %broadcast_in_dim3A_388 = arith.constant 0.000000e+00 : f32
      %broadcast_in_dim3A_389 = vector.broadcast %broadcast_in_dim3A_388 : f32 to vector<16xf32>
      %broadcast_in_dim3A_390 = arith.constant 0.000000e+00 : f32
      %broadcast_in_dim3A_391 = vector.broadcast %broadcast_in_dim3A_390 : f32 to vector<16xf32>
      %scan3A_392 = arith.constant 0 : i32
      %scan3A_393 = arith.constant 208 : i32
      %scan3A_394 = arith.addi %scan3A_392, %scan3A_393 : i32
      %scan3A_395 = arith.constant 1 : i32
      %scan3A_396:4 = scf.for %scan3A_494 = %scan3A_392 to %scan3A_394 step %scan3A_395 iter_args(%scan3A_495 = %broadcast_in_dim3A_385, %scan3A_496 = %broadcast_in_dim3A_387, %scan3A_497 = %broadcast_in_dim3A_389, %scan3A_498 = %broadcast_in_dim3A_391) -> (vector<16xf32>, vector<16xf32>, vector<16xf32>, vector<16xf32>)  : i32 {
        %mul3A_499 = arith.constant 4 : i32
        %mul3A_500 = arith.muli %scan3A_494, %mul3A_499 : i32
        %add3A_501 = arith.constant 0 : i32
        %add3A_502 = arith.addi %mul3A_500, %add3A_501 : i32
        %mul3A_503 = arith.constant 16 : i32
        %mul3A_504 = arith.muli %add3A_502, %mul3A_503 : i32
        %get3A_505 = arith.index_cast %mul3A_504 : i32 to index
        %get3A_506 = tpu.vector_load %arg13[%get3A_505] {strides = array<i32>} : memref<13312xf32, #tpu.memory_space<vmem>>, vector<16xf32>,
        %get3A_507 = vector.shape_cast %get3A_506 : vector<16xf32> to vector<16xf32>
        %add3A_508 = arith.addf %scan3A_495, %get3A_507 : vector<16xf32>
        %mul3A_509 = arith.constant 4 : i32
        %mul3A_510 = arith.muli %scan3A_494, %mul3A_509 : i32
        %add3A_511 = arith.constant 1 : i32
        %add3A_512 = arith.addi %mul3A_510, %add3A_511 : i32
        %mul3A_513 = arith.constant 16 : i32
        %mul3A_514 = arith.muli %add3A_512, %mul3A_513 : i32
        %get3A_515 = arith.index_cast %mul3A_514 : i32 to index
        %get3A_516 = tpu.vector_load %arg13[%get3A_515] {strides = array<i32>} : memref<13312xf32, #tpu.memory_space<vmem>>, vector<16xf32>,
        %get3A_517 = vector.shape_cast %get3A_516 : vector<16xf32> to vector<16xf32>
        %add3A_518 = arith.addf %scan3A_496, %get3A_517 : vector<16xf32>
        %mul3A_519 = arith.constant 4 : i32
        %mul3A_520 = arith.muli %scan3A_494, %mul3A_519 : i32
        %add3A_521 = arith.constant 2 : i32
        %add3A_522 = arith.addi %mul3A_520, %add3A_521 : i32
        %mul3A_523 = arith.constant 16 : i32
        %mul3A_524 = arith.muli %add3A_522, %mul3A_523 : i32
        %get3A_525 = arith.index_cast %mul3A_524 : i32 to index
        %get3A_526 = tpu.vector_load %arg13[%get3A_525] {strides = array<i32>} : memref<13312xf32, #tpu.memory_space<vmem>>, vector<16xf32>,
        %get3A_527 = vector.shape_cast %get3A_526 : vector<16xf32> to vector<16xf32>
        %add3A_528 = arith.addf %scan3A_497, %get3A_527 : vector<16xf32>
        %mul3A_529 = arith.constant 4 : i32
        %mul3A_530 = arith.muli %scan3A_494, %mul3A_529 : i32
        %add3A_531 = arith.constant 3 : i32
        %add3A_532 = arith.addi %mul3A_530, %add3A_531 : i32
        %mul3A_533 = arith.constant 16 : i32
        %mul3A_534 = arith.muli %add3A_532, %mul3A_533 : i32
        %get3A_535 = arith.index_cast %mul3A_534 : i32 to index
        %get3A_536 = tpu.vector_load %arg13[%get3A_535] {strides = array<i32>} : memref<13312xf32, #tpu.memory_space<vmem>>, vector<16xf32>,
        %get3A_537 = vector.shape_cast %get3A_536 : vector<16xf32> to vector<16xf32>
        %add3A_538 = arith.addf %scan3A_498, %get3A_537 : vector<16xf32>
        scf.yield %add3A_508, %add3A_518, %add3A_528, %add3A_538 : vector<16xf32>, vector<16xf32>, vector<16xf32>, vector<16xf32>
      }
      %scan3A_397 = arith.constant 208 : i32
      %mul3A_398 = arith.mulf %scan3A_396#0, %get3A_139 : vector<16xf32>
      %add3A_399 = arith.addf %mul3A_398, %get3A_142 : vector<16xf32>
      %ge3A_400 = arith.cmpf oge, %add3A_399, %get3A_145 : vector<16xf32>
      %jit3A_401 = arith.constant 1 : i32
      %jit3A_402 = arith.constant 0 : i32
      %broadcast_in_dim3A_403 = vector.broadcast %jit3A_401 : i32 to vector<16xi32>
      %broadcast_in_dim3A_404 = vector.broadcast %jit3A_402 : i32 to vector<16xi32>
      %select_n3A_405 = arith.select %ge3A_400, %broadcast_in_dim3A_403, %broadcast_in_dim3A_404 : vector<16xi1>, vector<16xi32>
      %mul3A_406 = arith.constant 64 : i32
      %mul3A_407 = arith.muli %add3A_198, %mul3A_406 : i32
      %add3A_408 = arith.constant 0 : i32
      %add3A_409 = arith.addi %mul3A_407, %add3A_408 : i32
      %swap3A_410 = arith.index_cast %add3A_409 : i32 to index
      %swap3A_411 = tpu.vector_load %arg14[%swap3A_410] {strides = array<i32>} : memref<512xf32, #tpu.memory_space<vmem>>, vector<16xf32>,
      %swap3A_412 = vector.shape_cast %swap3A_411 : vector<16xf32> to vector<16xf32>
      %swap3A_413 = vector.shape_cast %add3A_399 : vector<16xf32> to vector<16xf32>
      tpu.vector_store %arg14[%swap3A_410], %swap3A_413 {strides = array<i32>} : memref<512xf32, #tpu.memory_space<vmem>>, vector<16xf32>,
      %mul3A_414 = arith.constant 64 : i32
      %mul3A_415 = arith.muli %add3A_198, %mul3A_414 : i32
      %add3A_416 = arith.constant 0 : i32
      %add3A_417 = arith.addi %mul3A_415, %add3A_416 : i32
      %swap3A_418 = arith.index_cast %add3A_417 : i32 to index
      %swap3A_419 = tpu.vector_load %arg15[%swap3A_418] {strides = array<i32>} : memref<512xi32, #tpu.memory_space<vmem>>, vector<16xi32>,
      %swap3A_420 = vector.shape_cast %swap3A_419 : vector<16xi32> to vector<16xi32>
      %swap3A_421 = vector.shape_cast %select_n3A_405 : vector<16xi32> to vector<16xi32>
      tpu.vector_store %arg15[%swap3A_418], %swap3A_421 {strides = array<i32>} : memref<512xi32, #tpu.memory_space<vmem>>, vector<16xi32>,
      %mul3A_422 = arith.mulf %scan3A_396#1, %get3A_139 : vector<16xf32>
      %add3A_423 = arith.addf %mul3A_422, %get3A_142 : vector<16xf32>
      %ge3A_424 = arith.cmpf oge, %add3A_423, %get3A_145 : vector<16xf32>
      %jit3A_425 = arith.constant 1 : i32
      %jit3A_426 = arith.constant 0 : i32
      %broadcast_in_dim3A_427 = vector.broadcast %jit3A_425 : i32 to vector<16xi32>
      %broadcast_in_dim3A_428 = vector.broadcast %jit3A_426 : i32 to vector<16xi32>
      %select_n3A_429 = arith.select %ge3A_424, %broadcast_in_dim3A_427, %broadcast_in_dim3A_428 : vector<16xi1>, vector<16xi32>
      %mul3A_430 = arith.constant 64 : i32
      %mul3A_431 = arith.muli %add3A_198, %mul3A_430 : i32
      %add3A_432 = arith.constant 16 : i32
      %add3A_433 = arith.addi %mul3A_431, %add3A_432 : i32
      %swap3A_434 = arith.index_cast %add3A_433 : i32 to index
      %swap3A_435 = tpu.vector_load %arg14[%swap3A_434] {strides = array<i32>} : memref<512xf32, #tpu.memory_space<vmem>>, vector<16xf32>,
      %swap3A_436 = vector.shape_cast %swap3A_435 : vector<16xf32> to vector<16xf32>
      %swap3A_437 = vector.shape_cast %add3A_423 : vector<16xf32> to vector<16xf32>
      tpu.vector_store %arg14[%swap3A_434], %swap3A_437 {strides = array<i32>} : memref<512xf32, #tpu.memory_space<vmem>>, vector<16xf32>,
      %mul3A_438 = arith.constant 64 : i32
      %mul3A_439 = arith.muli %add3A_198, %mul3A_438 : i32
      %add3A_440 = arith.constant 16 : i32
      %add3A_441 = arith.addi %mul3A_439, %add3A_440 : i32
      %swap3A_442 = arith.index_cast %add3A_441 : i32 to index
      %swap3A_443 = tpu.vector_load %arg15[%swap3A_442] {strides = array<i32>} : memref<512xi32, #tpu.memory_space<vmem>>, vector<16xi32>,
      %swap3A_444 = vector.shape_cast %swap3A_443 : vector<16xi32> to vector<16xi32>
      %swap3A_445 = vector.shape_cast %select_n3A_429 : vector<16xi32> to vector<16xi32>
      tpu.vector_store %arg15[%swap3A_442], %swap3A_445 {strides = array<i32>} : memref<512xi32, #tpu.memory_space<vmem>>, vector<16xi32>,
      %mul3A_446 = arith.mulf %scan3A_396#2, %get3A_139 : vector<16xf32>
      %add3A_447 = arith.addf %mul3A_446, %get3A_142 : vector<16xf32>
      %ge3A_448 = arith.cmpf oge, %add3A_447, %get3A_145 : vector<16xf32>
      %jit3A_449 = arith.constant 1 : i32
      %jit3A_450 = arith.constant 0 : i32
      %broadcast_in_dim3A_451 = vector.broadcast %jit3A_449 : i32 to vector<16xi32>
      %broadcast_in_dim3A_452 = vector.broadcast %jit3A_450 : i32 to vector<16xi32>
      %select_n3A_453 = arith.select %ge3A_448, %broadcast_in_dim3A_451, %broadcast_in_dim3A_452 : vector<16xi1>, vector<16xi32>
      %mul3A_454 = arith.constant 64 : i32
      %mul3A_455 = arith.muli %add3A_198, %mul3A_454 : i32
      %add3A_456 = arith.constant 32 : i32
      %add3A_457 = arith.addi %mul3A_455, %add3A_456 : i32
      %swap3A_458 = arith.index_cast %add3A_457 : i32 to index
      %swap3A_459 = tpu.vector_load %arg14[%swap3A_458] {strides = array<i32>} : memref<512xf32, #tpu.memory_space<vmem>>, vector<16xf32>,
      %swap3A_460 = vector.shape_cast %swap3A_459 : vector<16xf32> to vector<16xf32>
      %swap3A_461 = vector.shape_cast %add3A_447 : vector<16xf32> to vector<16xf32>
      tpu.vector_store %arg14[%swap3A_458], %swap3A_461 {strides = array<i32>} : memref<512xf32, #tpu.memory_space<vmem>>, vector<16xf32>,
      %mul3A_462 = arith.constant 64 : i32
      %mul3A_463 = arith.muli %add3A_198, %mul3A_462 : i32
      %add3A_464 = arith.constant 32 : i32
      %add3A_465 = arith.addi %mul3A_463, %add3A_464 : i32
      %swap3A_466 = arith.index_cast %add3A_465 : i32 to index
      %swap3A_467 = tpu.vector_load %arg15[%swap3A_466] {strides = array<i32>} : memref<512xi32, #tpu.memory_space<vmem>>, vector<16xi32>,
      %swap3A_468 = vector.shape_cast %swap3A_467 : vector<16xi32> to vector<16xi32>
      %swap3A_469 = vector.shape_cast %select_n3A_453 : vector<16xi32> to vector<16xi32>
      tpu.vector_store %arg15[%swap3A_466], %swap3A_469 {strides = array<i32>} : memref<512xi32, #tpu.memory_space<vmem>>, vector<16xi32>,
      %mul3A_470 = arith.mulf %scan3A_396#3, %get3A_139 : vector<16xf32>
      %add3A_471 = arith.addf %mul3A_470, %get3A_142 : vector<16xf32>
      %ge3A_472 = arith.cmpf oge, %add3A_471, %get3A_145 : vector<16xf32>
      %jit3A_473 = arith.constant 1 : i32
      %jit3A_474 = arith.constant 0 : i32
      %broadcast_in_dim3A_475 = vector.broadcast %jit3A_473 : i32 to vector<16xi32>
      %broadcast_in_dim3A_476 = vector.broadcast %jit3A_474 : i32 to vector<16xi32>
      %select_n3A_477 = arith.select %ge3A_472, %broadcast_in_dim3A_475, %broadcast_in_dim3A_476 : vector<16xi1>, vector<16xi32>
      %mul3A_478 = arith.constant 64 : i32
      %mul3A_479 = arith.muli %add3A_198, %mul3A_478 : i32
      %add3A_480 = arith.constant 48 : i32
      %add3A_481 = arith.addi %mul3A_479, %add3A_480 : i32
      %swap3A_482 = arith.index_cast %add3A_481 : i32 to index
      %swap3A_483 = tpu.vector_load %arg14[%swap3A_482] {strides = array<i32>} : memref<512xf32, #tpu.memory_space<vmem>>, vector<16xf32>,
      %swap3A_484 = vector.shape_cast %swap3A_483 : vector<16xf32> to vector<16xf32>
      %swap3A_485 = vector.shape_cast %add3A_471 : vector<16xf32> to vector<16xf32>
      tpu.vector_store %arg14[%swap3A_482], %swap3A_485 {strides = array<i32>} : memref<512xf32, #tpu.memory_space<vmem>>, vector<16xf32>,
      %mul3A_486 = arith.constant 64 : i32
      %mul3A_487 = arith.muli %add3A_198, %mul3A_486 : i32
      %add3A_488 = arith.constant 48 : i32
      %add3A_489 = arith.addi %mul3A_487, %add3A_488 : i32
      %swap3A_490 = arith.index_cast %add3A_489 : i32 to index
      %swap3A_491 = tpu.vector_load %arg15[%swap3A_490] {strides = array<i32>} : memref<512xi32, #tpu.memory_space<vmem>>, vector<16xi32>,
      %swap3A_492 = vector.shape_cast %swap3A_491 : vector<16xi32> to vector<16xi32>
      %swap3A_493 = vector.shape_cast %select_n3A_477 : vector<16xi32> to vector<16xi32>
      tpu.vector_store %arg15[%swap3A_490], %swap3A_493 {strides = array<i32>} : memref<512xi32, #tpu.memory_space<vmem>>, vector<16xi32>,
    }
    %scan3A_175 = arith.constant 4 : i32
    %dma_wait3A_176 = arith.constant 0 : i32
    %dma_wait3A_177 = tpu.memref_slice %arg12[%dma_wait3A_176] : memref<13312xf32, #tpu.memory_space<vmem>> -> memref<5120xf32, #tpu.memory_space<vmem>>
    %dma_wait3A_178 = arith.constant 0 : i32
    %dma_wait3A_179 = tpu.memref_slice %arg10[%dma_wait3A_178] : memref<13312xi32, #tpu.memory_space<vmem>> -> memref<5120xi32, #tpu.memory_space<vmem>>
    %dma_wait3A_180 = arith.constant 0 : i32
    %dma_wait3A_181 = tpu.memref_slice %arg3[%dma_wait3A_180] : memref<1000001xf32, #tpu.memory_space<hbm>> -> memref<1000001xf32, #tpu.memory_space<hbm>>
    tpu.wait_indirect_dma semaphore(%arg23 : memref<!tpu.dma_semaphore, #tpu.memory_space<semaphore_mem>>) src(%dma_wait3A_181 : memref<1000001xf32, #tpu.memory_space<hbm>>) dst(%dma_wait3A_177 : memref<5120xf32, #tpu.memory_space<vmem>>)
    %dma_wait3A_182 = arith.constant 5120 : i32
    %dma_wait3A_183 = tpu.memref_slice %arg12[%dma_wait3A_182] : memref<13312xf32, #tpu.memory_space<vmem>> -> memref<8192xf32, #tpu.memory_space<vmem>>
    %dma_wait3A_184 = arith.constant 5120 : i32
    %dma_wait3A_185 = tpu.memref_slice %arg10[%dma_wait3A_184] : memref<13312xi32, #tpu.memory_space<vmem>> -> memref<8192xi32, #tpu.memory_space<vmem>>
    %dma_wait3A_186 = arith.constant 0 : i32
    %dma_wait3A_187 = tpu.memref_slice %arg9[%dma_wait3A_186] : memref<1000448xf32, #tpu.memory_space<vmem_shared>> -> memref<1000448xf32, #tpu.memory_space<vmem_shared>>
    tpu.wait_indirect_dma semaphore(%arg21 : memref<!tpu.dma_semaphore, #tpu.memory_space<semaphore_mem>>) src(%dma_wait3A_187 : memref<1000448xf32, #tpu.memory_space<vmem_shared>>) dst(%dma_wait3A_183 : memref<8192xf32, #tpu.memory_space<vmem>>)
    %dma_wait3A_188 = arith.constant 0 : i32
    %dma_wait3A_189 = tpu.memref_slice %arg2[%dma_wait3A_188] : memref<3407872xi32, #tpu.memory_space<hbm>> -> memref<13312xi32, #tpu.memory_space<hbm>>
    %dma_wait3A_190 = arith.constant 0 : i32
    %dma_wait3A_191 = tpu.memref_slice %arg2[%dma_wait3A_190] : memref<3407872xi32, #tpu.memory_space<hbm>> -> memref<13312xi32, #tpu.memory_space<hbm>>
    tpu.wait_dma2 semaphore(%arg20 : memref<!tpu.dma_semaphore, #tpu.memory_space<semaphore_mem>>) src(%dma_wait3A_191 : memref<13312xi32, #tpu.memory_space<hbm>>) dst(%arg11 : memref<13312xi32, #tpu.memory_space<vmem>>)
    %mul3A_192 = arith.constant 512 : i32
    %mul3A_193 = arith.muli %add3A, %mul3A_192 : i32
    "tpu.region"() ({
      %run_scoped3A = tpu.sem_alloc : memref<!tpu.dma_semaphore, #tpu.memory_space<semaphore_mem>>
      %dma_start3A_194 = tpu.memref_slice %arg7[%mul3A_193] : memref<16384xf32, #tpu.memory_space<hbm>> -> memref<512xf32, #tpu.memory_space<hbm>>
      %dma_start3A_195 = tpu.memref_slice %arg7[%mul3A_193] : memref<16384xf32, #tpu.memory_space<hbm>> -> memref<512xf32, #tpu.memory_space<hbm>>
      tpu.enqueue_dma source(%arg14 : memref<512xf32, #tpu.memory_space<vmem>>) target(%dma_start3A_195 : memref<512xf32, #tpu.memory_space<hbm>>) target_semaphore(%run_scoped3A : memref<!tpu.dma_semaphore, #tpu.memory_space<semaphore_mem>>)
      %dma_wait3A_196 = tpu.memref_slice %arg7[%mul3A_193] : memref<16384xf32, #tpu.memory_space<hbm>> -> memref<512xf32, #tpu.memory_space<hbm>>
      %dma_wait3A_197 = tpu.memref_slice %arg7[%mul3A_193] : memref<16384xf32, #tpu.memory_space<hbm>> -> memref<512xf32, #tpu.memory_space<hbm>>
      tpu.wait_dma2 semaphore(%run_scoped3A : memref<!tpu.dma_semaphore, #tpu.memory_space<semaphore_mem>>) src(%arg14 : memref<512xf32, #tpu.memory_space<vmem>>) dst(%dma_wait3A_197 : memref<512xf32, #tpu.memory_space<hbm>>)
      tpu.yield
    }) : () -> ()
    "tpu.region"() ({
      %run_scoped3A = tpu.sem_alloc : memref<!tpu.dma_semaphore, #tpu.memory_space<semaphore_mem>>
      %dma_start3A_194 = tpu.memref_slice %arg8[%mul3A_193] : memref<16384xi32, #tpu.memory_space<hbm>> -> memref<512xi32, #tpu.memory_space<hbm>>
      %dma_start3A_195 = tpu.memref_slice %arg8[%mul3A_193] : memref<16384xi32, #tpu.memory_space<hbm>> -> memref<512xi32, #tpu.memory_space<hbm>>
      tpu.enqueue_dma source(%arg15 : memref<512xi32, #tpu.memory_space<vmem>>) target(%dma_start3A_195 : memref<512xi32, #tpu.memory_space<hbm>>) target_semaphore(%run_scoped3A : memref<!tpu.dma_semaphore, #tpu.memory_space<semaphore_mem>>)
      %dma_wait3A_196 = tpu.memref_slice %arg8[%mul3A_193] : memref<16384xi32, #tpu.memory_space<hbm>> -> memref<512xi32, #tpu.memory_space<hbm>>
      %dma_wait3A_197 = tpu.memref_slice %arg8[%mul3A_193] : memref<16384xi32, #tpu.memory_space<hbm>> -> memref<512xi32, #tpu.memory_space<hbm>>
      tpu.wait_dma2 semaphore(%run_scoped3A : memref<!tpu.dma_semaphore, #tpu.memory_space<semaphore_mem>>) src(%arg15 : memref<512xi32, #tpu.memory_space<vmem>>) dst(%dma_wait3A_197 : memref<512xi32, #tpu.memory_space<hbm>>)
      tpu.yield
    }) : () -> ()
    return
  }
}

</mosaic_0001>

<sc_bundles>
// kernel: kernel.3.cloned.1.call-start
scs
__scs_entry_jumppad:
0x0: {  	(pc) =	sbr.rel $0x88, $3  }
0x1: {  	(tag) =	ssettag $0x0;
	lr =	simm.s32 $0x1  }
0x2: {  	[smem:$0x3F9C] =	sst lr;
	_ =	strace $0xD0000000  }
0x3: {  	_ = 	snop  }
0x4: {  	_ = 	snop  }
0x5: {  	_ = 	snop  }
0x6: {  	_ = 	snop  }
0x7: {  	_ = 	snop  }
__scs_overlays_trampoline_lowered:
0x8: {  	[smem:$0x3FAB] =	sst s0  }
0x9: {  	[smem:$0x3FAC] =	sst s1  }
0xa: {  	[smem:$0x3FAD] =	sst s2  }
0xb: {  	[smem:$0x3FAE] =	sst s3  }
0xc: {  	[smem:$0x3FAF] =	sst s4  }
0xd: {  	[smem:$0x3FB0] =	sst s5  }
0xe: {  	[smem:$0x3FB1] =	sst s6  }
0xf: {  	[smem:$0x3FB2] =	sst s7  }
0x10: {  	[smem:$0x3FB3] =	sst s8  }
0x11: {  	[smem:$0x3FB4] =	sst s9;
	s0 =	simm.s32 @!p0 $0x0  }
0x12: {  	s1 =	sld [smem:$0x3F9A];
	s0 =	simm.s32 @p0 $0x1  }
0x13: {  	[smem:$0x3FB5] =	sst s0;
	s0 =	simm.s32 @!p1 $0x0  }
0x14: {  	s2 =	sld [smem:$0x3F99];
	s0 =	simm.s32 @p1 $0x1  }
0x15: {  	[smem:$0x3FB6] =	sst s0;
	s0 =	simm.s32 @!p2 $0x0  }
0x16: {  	s3 =	sld [smem:$0x3FDB];
	s0 =	simm.s32 @p2 $0x1  }
0x17: {  	s4 =	simm.s32 $0x1BF5;
	[smem:$0x3FB8] =	sst s0  }
0x18: {  	s0 =	sld [smem:$0x3F9B];
	_ =	swait.ge [sflag:s4], $0x0  }
0x19: {  	s7 =	sld [smem:$0x3F9C]  }
0x1a: {  	s8 =	sadd.s32 $0xFFFFE003, lr  }
0x1b: {  	s9 =	sadd.s32 $0xFFFFFEF7, lr;
	s5 =	simm.s32 $0xFFFFFFFF;
	p2 =	slt.u32 s8, $0xFFFFF086  }
0x1c: {  	p1 =	slt.u32 s9, $0xF7A;
	s5 =	simm.s32 @!p2 $0x0  }
0x1d: {  	s5 =	simm.s32 @p1 $0x1;
	p0 =	seq.s32 s7, s2  }
0x1e: {  	s7 =	smul.u32 @!p0 $0xF7A, s2;
	p2 =	seq.s32 @!p0 s5, $0x0  }
0x1f: {  	s9 =	smul.u32 $0xF7A, s1;
	s8 =	simm.s32 @!p0 $0x1BF5;
	p2 =	por !p2, p0  }
0x20: {  	[sflag:s8] =	ssyncset.s32 @!p0 $0xFFFFF086;
	s6 =	sadd.s32 @!p0 s3, s7;
	s7 =	simm.s32 @!p0 $0x108  }
0x21: {  	s3 =	sadd.s32 s3, s9;
	s6 =	sadd.s32 @!p0 $0x88, s6;
	s7 =	simm.s32 @p2 $0x1082  }
0x22: {  	[simem:s7], [sflag:s8] =	dma.local @!p0 [hbm:s6], $0xF7A  }
0x23: {  	s9 =	sor.u32 $0xD0000000, s2;
	s6 =	simm.s32 $0x108;
	_ =	swait.ge @!p0 [sflag:s8], $0x0  }
0x24: {  	s3 =	sadd.s32 $0x88, s3;
	s6 =	simm.s32 @!p1 $0x1082;
	[sflag:s4] =	ssyncset.s32 $0xFFFFF086  }
0x25: {  	[simem:s6], [sflag:s4] =	dma.local [hbm:s3], $0xF7A  }
0x26: {  	[smem:$0x3F9C] =	sst s1;
	(tag) =	ssettag s2;
	_ =	strace s9  }
0x27: {  	s1 =	sld [smem:$0x3FAC]  }
0x28: {  	s2 =	sld [smem:$0x3FAD]  }
0x29: {  	s4 =	sld [smem:$0x3FAF]  }
0x2a: {  	p0 =	seq.s32 s5, $0x0;
	s5 =	sld [smem:$0x3FB0]  }
0x2b: {  	s6 =	sld [smem:$0x3FB1]  }
0x2c: {  	s7 =	sld [smem:$0x3FB2]  }
0x2d: {  	s3 =	simm.s32 $0x108;
	s8 =	sld [smem:$0x3FB3]  }
0x2e: {  	s3 =	simm.s32 @!p0 $0x1082;
	s9 =	sld [smem:$0x3FB4]  }
0x2f: {  	lr =	sadd.s32 s0, s3;
	s0 =	sld [smem:$0x3FAB]  }
0x30: {  	s3 =	sld [smem:$0x3FAE]  }
0x31: {  	[smem:$0x3FB7] =	sst s10  }
0x32: {  	s10 =	sld [smem:$0x3FB5];
	_ =	sdelay $0x3  }
0x33: {  	p0 =	seq.s32 s10, $0x1;
	s10 =	sld [smem:$0x3FB7];
	_ =	sdelay $0x3  }
0x34: {  	[smem:$0x3FB7] =	sst s10  }
0x35: {  	s10 =	sld [smem:$0x3FB6];
	_ =	sdelay $0x3  }
0x36: {  	p1 =	seq.s32 s10, $0x1;
	s10 =	sld [smem:$0x3FB7];
	_ =	sdelay $0x3  }
0x37: {  	[smem:$0x3FB7] =	sst s10  }
0x38: {  	s10 =	sld [smem:$0x3FB8]  }
0x39: {  	_ = 	snop;
	(pc) =	sbr.ind lr, $3  }
0x3a: {  	_ = 	snop  }
0x3b: {  	_ = 	snop  }
0x3c: {  	p2 =	seq.s32 s10, $0x1;
	s10 =	sld [smem:$0x3FB7]  }
0x3d: {  	_ =	shalt  }
0x3e: {  	_ =	shalt  }
0x3f: {  	_ =	shalt  }
0x40: {  	_ =	shalt  }
0x41: {  	_ =	shalt  }
0x42: {  	_ =	shalt  }
0x43: {  	_ =	shalt  }
0x44: {  	_ =	shalt  }
0x45: {  	_ =	shalt  }
0x46: {  	_ =	shalt  }
0x47: {  	_ =	shalt  }
0x48: {  	_ =	shalt  }
0x49: {  	_ =	shalt  }
0x4a: {  	_ =	shalt  }
0x4b: {  	_ =	shalt  }
0x4c: {  	_ =	shalt  }
0x4d: {  	_ =	shalt  }
0x4e: {  	_ =	shalt  }
0x4f: {  	_ =	shalt  }
0x50: {  	_ =	shalt  }
0x51: {  	_ =	shalt  }
0x52: {  	_ =	shalt  }
0x53: {  	_ =	shalt  }
0x54: {  	_ =	shalt  }
0x55: {  	_ =	shalt  }
0x56: {  	_ =	shalt  }
0x57: {  	_ =	shalt  }
0x58: {  	_ =	shalt  }
0x59: {  	_ =	shalt  }
0x5a: {  	_ =	shalt  }
0x5b: {  	_ =	shalt  }
0x5c: {  	_ =	shalt  }
0x5d: {  	_ =	shalt  }
0x5e: {  	_ =	shalt  }
0x5f: {  	_ =	shalt  }
0x60: {  	_ =	shalt  }
0x61: {  	_ =	shalt  }
0x62: {  	_ =	shalt  }
0x63: {  	_ =	shalt  }
0x64: {  	_ =	shalt  }
0x65: {  	_ =	shalt  }
0x66: {  	_ =	shalt  }
0x67: {  	_ =	shalt  }
0x68: {  	_ =	shalt  }
0x69: {  	_ =	shalt  }
0x6a: {  	_ =	shalt  }
0x6b: {  	_ =	shalt  }
0x6c: {  	_ =	shalt  }
0x6d: {  	_ =	shalt  }
0x6e: {  	_ =	shalt  }
0x6f: {  	_ =	shalt  }
0x70: {  	_ =	shalt  }
0x71: {  	_ =	shalt  }
0x72: {  	_ =	shalt  }
0x73: {  	_ =	shalt  }
0x74: {  	_ =	shalt  }
0x75: {  	_ =	shalt  }
0x76: {  	_ =	shalt  }
0x77: {  	_ =	shalt  }
0x78: {  	_ =	shalt  }
0x79: {  	_ =	shalt  }
0x7a: {  	_ =	shalt  }
0x7b: {  	_ =	shalt  }
0x7c: {  	_ =	shalt  }
0x7d: {  	_ =	shalt  }
0x7e: {  	_ =	shalt  }
0x7f: {  	_ =	shalt  }
0x80: {  	_ =	shalt  }
0x81: {  	_ =	shalt  }
0x82: {  	_ =	shalt  }
0x83: {  	_ =	shalt  }
0x84: {  	_ =	shalt  }
0x85: {  	_ =	shalt  }
0x86: {  	_ =	shalt  }
0x87: {  	_ =	shalt  }
.Lfunc_end0:
.L_simem_size_0:
called_computation_lowered:
.L_overlay_start_0:
0x88: {  	s2 =	sld [smem:$0x3FD9]  }
0x89: {  	s3 =	sld [smem:$0x3FFE];
	_ =	sdelay $0x1  }
0x8a: {  	s1 =	srdreg.scid  }
0x8b: {  	s0 =	sand.u32 $0x1, s1  }
0x8c: {  	s14 =	sshll.u32 s0, $0xA;
	s2 =	sadd.s32 s3, s2  }
0x8d: {  	s2 =	sadd.s32 s2, s14  }
0x8e: {  	[smem:$0x3FC3] =	sst s2  }
0x8f: {  	_ = 	snop  }
0x90: {  	s2 =	sld [smem:$0x3FD0];
	_ =	sdelay $0x2  }
0x91: {  	s15 =	simm.s32 $0xA;
	s4 =	simm.s32 $0x10  }
0x92: {  	[smem:s4], [sflag:s15] =	dma.local [hbm:s2], $0x1  }
0x93: {  	_ =	swait.eq [sflag:s15], $0x1  }
0x94: {  	[sflag:s15] =	ssyncset.done $0x0  }
0x95: {  	s16 =	sld [smem:$0x10];
	[sflag:s15] =	ssyncadd.s32 $0xFFFFFFFF  }
0x96: {  	s17 =	sld [smem:$0x11];
	(tm) =	ssettm $0x1  }
0x97: {  	s18 =	sld [smem:$0x3FFB];
	_ =	sdelay $0x3  }
0x98: {  	_ =	strace s18  }
0x99: {  	s4 =	sld [smem:$0x3FFC];
	_ =	sdelay $0x3  }
0x9a: {  	_ =	strace s4  }
0x9b: {  	s4 =	sld [smem:$0x3FFD];
	_ =	sdelay $0x3  }
0x9c: {  	_ =	strace s4  }
0x9d: {  	_ =	strace $0x8FFFFFFF  }
0x9e: {  	s19 =	sld [smem:$0x3FDB];
	_ =	sdelay $0x1  }
0x9f: {  	s5 =	simm.s32 $_scs_section_size  }
0xa0: {  	s6 =	simm.s32 $_size__tile_overlayer_lowered;
	s7 =	simm.s32 $_tile_overlayer_lowered  }
0xa1: {  	s22 =	simm.s32 $0x1BFF;
	s21 =	sshll.u32 s7, $0x1;
	s4 =	sadd.s32 s5, s19  }
0xa2: {  	s8 =	simm.s32 $0x0;
	s20 =	sshll.u32 s6, $0x1;
	s6 =	sadd.s32 s21, s4  }
0xa3: {  	[timem:s8], [sflag:s22] =	dma.local [hbm:s6], s20  }
0xa4: {  	_ =	swait.ge [sflag:s22], s20  }
0xa5: {  	s5 =	ssub.s32 $0x0, s20;
	[sflag:s22] =	ssyncset.done $0x0  }
0xa6: {  	[sflag:s22] =	ssyncadd.s32 s5;
	_ =	sdelay $0x1  }
0xa7: {  	s23 =	simm.s32 $0x1B8B  }
0xa8: {  	_ =	swait.ge [sflag:s23], $0x1  }
0xa9: {  	[sflag:s23] =	ssyncset.done $0x0  }
0xaa: {  	s25 =	simm.s32 $0x1B8E;
	s24 =	sld [smem:$0x3FFE];
	[sflag:s23] =	ssyncadd.s32 $0xFFFFFFFF  }
0xab: {  	s26 =	simm.s32 $execute0_lowered;
	[smem:$0x3FD2] =	sst s25  }
0xac: {  	s6 =	sshll.u32 s26, $0x1;
	_ =	strace $0x80000046;
	[dreg:$0x1] =	wrdreg $0xFFFFFFFF  }
0xad: {  	s28 =	simm.s32 $_size_execute0_lowered;
	s4 =	sadd.s32 s4, s6;
	[dreg:$0x0] =	wrdreg $0x0  }
0xae: {  	s6 =	sshll.u32 s28, $0x1;
	[dreg:$0x2] =	wrdreg s4  }
0xaf: {  	[dreg:$0x3] =	wrdreg s6  }
0xb0: {  	[dreg:$0x4] =	wrdreg $0xC0  }
0xb1: {  	_ =	task [dreg:s8], $0x5FFFF  }
0xb2: {  	[dreg:$0x1] =	wrdreg $0xFFFFFFFF  }
0xb3: {  	[dreg:$0x0] =	wrdreg $0x60  }
0xb4: {  	[dreg:$0x2] =	wrdreg s24  }
0xb5: {  	[dreg:$0x3] =	wrdreg s16  }
0xb6: {  	[dreg:$0x4] =	wrdreg s17  }
0xb7: {  	[dreg:$0x5] =	wrdreg $0x0  }
0xb8: {  	[dreg:$0x6] =	wrdreg $0x9  }
0xb9: {  	_ =	task.clear_ibuf [dreg:s8], $0x7FFFF;
	_ =	strace $0x90000046  }
0xba: {  	s29 =	simm.s32 $0x9;
	_ =	strace $0x80000048  }
0xbb: {  	_ =	swait.ge [sflag:s29], $0x1  }
0xbc: {  	[sflag:s29] =	ssyncadd.s32 $0xFFFFFFFF  }
0xbd: {  	_ =	strace $0x90000048  }
0xbe: {  	_ =	sfence  }
0xbf: {  	s30 =	sld [smem:$0x0];
	_ =	sdelay $0x2  }
0xc0: {  	s31 =	sshll.u32 s1, $0xD;
	s1 =	sshrl.u32 s1, $0x2  }
0xc1: {  	s3 =	sand.u32 $0x4000, s31;
	s1 =	sadd.s32 s1, s30  }
0xc2: {  	s0 =	sor.u32 s3, s0;
	s1 =	sshll.u32 s1, $0x11  }
0xc3: {  	s0 =	sor.u32 s1, s0  }
0xc4: {  	s0 =	sadd.s32 $0x8F2B, s0  }
0xc5: {  	[sflag:s0] =	ssyncadd.remote.s32 $0x1  }
0xc6: {  	_ =	sfence.sel $0xFFFF  }
0xc7: {  	[dreg:$0x0] =	wrdreg $0xFFFFFFFF;
	(pc) =	sbr.abs _section_cstart, $3  }
0xc8: {  	[dreg:$0x1] =	wrdreg $0xFFFFFFFF  }
0xc9: {  	_ =	task.clear_ibuf [dreg:s8], $0x2FFFF;
	_ =	strace $0x9FFFFFFF  }
0xca: {  	(tm) =	ssettm $0x7FFFFFFF  }
0xcb: {  	_ =	shalt  }
tec
execute0_lowered:
.L_overlay_start_1:
0x0: {  	(tag) =	ssettag $0x1  }
0x1: {  	s0 =	rddreg [dreg:$0x0]  }
0x2: {  	s3 =	rddreg [dreg:$0x1]  }
0x3: {  	s6 =	rddreg [dreg:$0x2]  }
0x4: {  	s1 =	rddreg [dreg:$0x3];
	s2 =	simm.s32 $0x0  }
0x5: {  	s5 =	srdreg.scid;
	s15 =	stileid.u32;
	s29 =	simm.s32 $0x15C40  }
0x6: {  	s30 =	simm.s32 $0x19040;
	s31 =	simm.s32 $0x1;
	[smem:$0x7FF] =	sst s2  }
0x7: {  	s4 =	sadd.s32 $0x600, s0;
	s7 =	sand.u32 $0x1, s5;
	s5 =	sadd.s32 $0x68800, s0  }
0x8: {  	s9 =	sadd.s32 $0x87200, s0;
	s10 =	smul.u32 $0xF428, s15;
	s11 =	sadd.s32 $0x87400, s0  }
0x9: {  	s20 =	sadd.s32 $0x87600, s0;
	_ =	strace $0x80000047;
	[dreg:$0x5] =	wrdreg s9  }
0xa: {  	s21 =	sshll.u32 s15, $0x1;
	s0 =	sadd.s32 $0x86BCB, s0;
	[dreg:$0x6] =	wrdreg s11  }
0xb: {  	p0 =	sne.s32 s15, $0xF;
	s15 =	simm.s32 $0x5;
	[dreg:$0x7] =	wrdreg s20  }
0xc: {  	s8 =	ssub.s32 $0x2, s7;
	s7 =	sor.u32 s7, s21;
	[dreg:$0x13] =	wrdreg s0  }
0xd: {  	s0 =	simm.s32 $0x3;
	s11 =	simm.s32 $0x1A440;
	s19 =	sshrl.u32 s8, $0x1  }
0xe: {  	s22 =	sshrl.u32 s10, $0x3;
	s12 =	sadd.s32 $0x3400, s10;
	s25 =	sadd.s32 $0x6800, s10  }
0xf: {  	s26 =	sadd.s32 $0x9C00, s10;
	s16 =	sadd.s32 s10, s1;
	s20 =	smul.u32 $0x1A000, s7  }
0x10: {  	s21 =	sshll.u32 s7, $0x6;
	s8 =	ssub.s32 s8, s19;
	s23 =	sadd.s32 s5, s22  }
0x11: {  	s24 =	sshrl.u32 s12, $0x3;
	s13 =	sshrl.u32 s25, $0x3;
	s14 =	sshrl.u32 s26, $0x3  }
0x12: {  	s12 =	sadd.s32 s12, s1;
	s18 =	sadd.s32 s26, s1;
	[dreg:$0x8] =	wrdreg s23  }
0x13: {  	s19 =	sadd.s32 $0xD000, s10;
	s3 =	sadd.s32 s3, s21;
	[dreg:$0xb] =	wrdreg s12  }
0x14: {  	s22 =	sadd.s32 s6, s21;
	s28 =	sadd.s32 $0xD000, s16;
	[dreg:$0xe] =	wrdreg s18  }
0x15: {  	s9 =	sadd.s32 s5, s24;
	s13 =	sadd.s32 s5, s13;
	[dreg:$0x11] =	wrdreg s3  }
0x16: {  	s17 =	sadd.s32 s5, s14;
	s10 =	sshrl.u32 s19, $0x3;
	[dreg:$0x12] =	wrdreg s22  }
0x17: {  	s23 =	smul.u32 $0x3400, s7;
	s24 =	sshrl.u32 s20, $0x3;
	[dreg:$0x9] =	wrdreg s9  }
0x18: {  	s12 =	simm.s32 $0x10840;
	s14 =	simm.s32 $0x12840;
	[dreg:$0xa] =	wrdreg s13  }
0x19: {  	s18 =	simm.s32 $0x0;
	[dreg:$0xc] =	wrdreg s17;
	s9 =	sadd.s32 s25, s1  }
0x1a: {  	s10 =	sadd.s32 s5, s10;
	s25 =	sshll.u32 s7, $0x3;
	s6 =	sadd.s32 s4, s24  }
0x1b: {  	s7 =	simm.s32 $0x7;
	s13 =	simm.s32 $0x17040;
	[dreg:$0xd] =	wrdreg s9  }
0x1c: {  	s17 =	simm.s32 $0x6;
	[dreg:$0xf] =	wrdreg s10;
	s9 =	sadd.s32 s19, s1  }
0x1d: {  	s3 =	sadd.s32 s4, s23;
	s26 =	sadd.s32 $0x680, s6;
	s24 =	sor.u32 $0x2, s25  }
0x1e: {  	s25 =	sor.u32 $0x3, s25;
	s23 =	smov.u32 s16;
	[dreg:$0x10] =	wrdreg s9  }
0x1f: {  	s6 =	simm.s32 $0x4;
	s10 =	simm.s32 $0x2000;
	[dreg:$0x14] =	wrdreg s3  }
0x20: {  	s16 =	simm.s32 $0x13C40;
	[dreg:$0x15] =	wrdreg s26;
	s26 =	smax.u32 s8, $0x1  }
0x21: {  	v0 =	vimm.s32 $0x0;
	s3 =	simm.s32 $0x2;
	s8 =	simm.s32 $0xF440;
	s9 =	simm.s32 $0x1400  }
.LBB2_1:
0x22: {  	s19 =	rddreg [dreg:$0x8]  }
0x23: {  	[tilespmem:s29], [sflag:$0x1] =	stream.linear.gather [hbm4b:s19+s2], $0x3400, $0x38;
	[tilespmem:$0x1C9C0] =	vst v63  }
0x24: {  	s21 =	rddreg [dreg:$0x9]  }
0x25: {  	[tilespmem:s30], [sflag:$0x2] =	stream.linear.gather [hbm4b:s21+s2], $0x3400, $0x38;
	[tilespmem:$0x1C9C0] =	vst v63  }
0x26: {  	_ =	swait.ge [sflag:s31], $0x3400  }
0x27: {  	[sflag:s31] =	ssyncset.done $0x0  }
0x28: {  	[sflag:s31] =	ssyncadd.s32 $0xFFFFCC00  }
0x29: {  	[spmem:s23] =	stream.linear.scatter [tilespmem:s29], [sflag:$0x3], $0x3400, $0x38;
	[tilespmem:$0x1C9C0] =	vst v63  }
0x2a: {  	_ =	swait.ge [sflag:s0], $0x3400  }
0x2b: {  	[sflag:s0] =	ssyncset.done $0x0  }
0x2c: {  	s22 =	rddreg [dreg:$0xa];
	[sflag:s0] =	ssyncadd.s32 $0xFFFFCC00  }
0x2d: {  	[tilespmem:s29], [sflag:$0x1] =	stream.linear.gather [hbm4b:s22+s2], $0x3400, $0x38;
	[tilespmem:$0x1C9C0] =	vst v63  }
0x2e: {  	_ =	swait.ge [sflag:s3], $0x3400  }
0x2f: {  	[sflag:s3] =	ssyncset.done $0x0  }
0x30: {  	s20 =	rddreg [dreg:$0xb];
	[sflag:s3] =	ssyncadd.s32 $0xFFFFCC00  }
0x31: {  	[spmem:s20] =	stream.linear.scatter [tilespmem:s30], [sflag:$0x4], $0x3400, $0x38;
	[tilespmem:$0x1C9C0] =	vst v63  }
0x32: {  	_ =	swait.ge [sflag:s6], $0x3400  }
0x33: {  	[sflag:s6] =	ssyncset.done $0x0  }
0x34: {  	s21 =	rddreg [dreg:$0xc];
	[sflag:s6] =	ssyncadd.s32 $0xFFFFCC00  }
0x35: {  	[tilespmem:s30], [sflag:$0x2] =	stream.linear.gather [hbm4b:s21+s2], $0x3400, $0x38;
	[tilespmem:$0x1C9C0] =	vst v63  }
0x36: {  	_ =	swait.ge [sflag:s31], $0x3400  }
0x37: {  	[sflag:s31] =	ssyncset.done $0x0  }
0x38: {  	s22 =	rddreg [dreg:$0xd];
	[sflag:s31] =	ssyncadd.s32 $0xFFFFCC00  }
0x39: {  	[spmem:s22] =	stream.linear.scatter [tilespmem:s29], [sflag:$0x3], $0x3400, $0x38;
	[tilespmem:$0x1C9C0] =	vst v63  }
0x3a: {  	_ =	swait.ge [sflag:s3], $0x3400  }
0x3b: {  	[sflag:s3] =	ssyncset.done $0x0  }
0x3c: {  	s20 =	rddreg [dreg:$0xe];
	[sflag:s3] =	ssyncadd.s32 $0xFFFFCC00  }
0x3d: {  	[spmem:s20] =	stream.linear.scatter [tilespmem:s30], [sflag:$0x4], $0x3400, $0x38;
	[tilespmem:$0x1C9C0] =	vst v63  }
0x3e: {  	_ =	swait.ge [sflag:s0], $0x3400  }
0x3f: {  	s19 =	simm.s32 @p0 $0x0;
	[sflag:s0] =	ssyncset.done $0x0  }
0x40: {  	s20 =	simm.s32 @p0 $0x15C40;
	s21 =	rddreg [dreg:$0xf];
	[sflag:s0] =	ssyncadd.s32 $0xFFFFCC00  }
0x41: {  	[tilespmem:s20], [sflag:$0x7] =	stream.linear.gather @p0 [hbm4b:s21+s19], $0x2428, $0x38;
	[tilespmem:$0x1C9C0] =	vst v63  }
0x42: {  	s19 =	simm.s32 @p0 $0x7  }
0x43: {  	_ =	swait.ge @p0 [sflag:s19], $0x2428  }
0x44: {  	[sflag:s19] =	ssyncset.done @p0 $0x0  }
0x45: {  	s21 =	rddreg [dreg:$0x10];
	[sflag:s19] =	ssyncadd.s32 @p0 $0xFFFFDBD8  }
0x46: {  	[spmem:s21] =	stream.linear.scatter @p0 [tilespmem:s20], [sflag:$0x7], $0x2428, $0x38;
	[tilespmem:$0x1C9C0] =	vst v63  }
0x47: {  	_ =	swait.ge @p0 [sflag:s19], $0x2428  }
0x48: {  	s20 =	simm.s32 @!p0 $0x15C40;
	[sflag:s19] =	ssyncset.done @p0 $0x0  }
0x49: {  	s21 =	rddreg [dreg:$0x13];
	[sflag:s19] =	ssyncadd.s32 @p0 $0xFFFFDBD8;
	s19 =	simm.s32 @!p0 $0x0  }
0x4a: {  	[tilespmem:s20], [sflag:$0x7] =	stream.linear.gather @!p0 [hbm4b:s21+s19], $0x23E9, $0x38;
	[tilespmem:$0x1C9C0] =	vst v63  }
0x4b: {  	s19 =	simm.s32 @!p0 $0x7  }
0x4c: {  	_ =	swait.ge @!p0 [sflag:s19], $0x23E9  }
0x4d: {  	[sflag:s19] =	ssyncset.done @!p0 $0x0  }
0x4e: {  	[sflag:s19] =	ssyncadd.s32 @!p0 $0xFFFFDC17  }
0x4f: {  	[spmem:s28] =	stream.linear.scatter @!p0 [tilespmem:s20], [sflag:$0x7], $0x23E9, $0x38;
	[tilespmem:$0x1C9C0] =	vst v63  }
0x50: {  	_ =	swait.ge @!p0 [sflag:s19], $0x23E9  }
0x51: {  	[sflag:s19] =	ssyncset.done @!p0 $0x0  }
0x52: {  	[sflag:s19] =	ssyncadd.s32 @!p0 $0xFFFFDC17  }
0x53: {  	_ =	swait.ge [sflag:s6], $0x3400  }
0x54: {  	[sflag:s6] =	ssyncset.done $0x0  }
0x55: {  	s22 =	simm.s32 $0x1C840;
	s21 =	rddreg [dreg:$0x5];
	[sflag:s6] =	ssyncadd.s32 $0xFFFFCC00  }
0x56: {  	[tilespmem:s22], [sflag:$0x7] =	stream.linear.gather [hbm4b:s21+s2], $0x80, $0x38;
	[tilespmem:$0x1C9C0] =	vst v63  }
0x57: {  	_ =	swait.ge [sflag:s7], $0x80  }
0x58: {  	[sflag:s7] =	ssyncset.done $0x0  }
0x59: {  	s22 =	simm.s32 $0x1C8C0;
	s21 =	rddreg [dreg:$0x6];
	[sflag:s7] =	ssyncadd.s32 $0xFFFFFF80  }
0x5a: {  	[tilespmem:s22], [sflag:$0x7] =	stream.linear.gather [hbm4b:s21+s2], $0x80, $0x38;
	[tilespmem:$0x1C9C0] =	vst v63  }
0x5b: {  	_ =	swait.ge [sflag:s7], $0x80  }
0x5c: {  	[sflag:s7] =	ssyncset.done $0x0  }
0x5d: {  	s22 =	simm.s32 $0x1C940;
	s21 =	rddreg [dreg:$0x7];
	[sflag:s7] =	ssyncadd.s32 $0xFFFFFF80  }
0x5e: {  	[tilespmem:s22], [sflag:$0x7] =	stream.linear.gather [hbm4b:s21+s2], $0x80, $0x38;
	[tilespmem:$0x1C9C0] =	vst v63  }
0x5f: {  	_ =	swait.ge [sflag:s7], $0x80  }
0x60: {  	[sflag:s7] =	ssyncset.done $0x0  }
0x61: {  	[sflag:s7] =	ssyncadd.s32 $0xFFFFFF80  }
0x62: {  	v1 =	vld [tilespmem:$0x1C840]  }
0x63: {  	v2 =	vld [tilespmem:$0x1C8C0]  }
0x64: {  	v3 =	vld [tilespmem:$0x1C940];
	[bflag:$0x0] =	sbarrier.arrive $0xFFFF  }
0x65: {  	s21 =	rddreg [dreg:$0x14]  }
0x66: {  	[tilespmem:s8], [sflag:$0x7] =	stream.linear.gather [hbm4b:s21+s2], $0x3400, $0x38;
	[tilespmem:$0x1C9C0] =	vst v63  }
0x67: {  	_ =	swait.ge [sflag:s7], $0x3400  }
0x68: {  	[sflag:s7] =	ssyncset.done $0x0  }
0x69: {  	[sflag:s7] =	ssyncadd.s32 $0xFFFFCC00  }
0x6a: {  	[tilespmem:s29], [sflag:$0x5] =	stream.indirect.gather [hbm4b:s5+s9], $0x1, s8, s9, $0xb8;
	[tilespmem:$0x1C9C0] =	vst v63  }
0x6b: {  	_ = 	snop  }
0x6c: {  	[tilespmem:s13], [sflag:$0x3] =	stream.indirect.gather [spmem:s1], $0x1, s12, s10, $0xb8;
	[tilespmem:$0x1C9C0] =	vst v63  }
0x6d: {  	s19 =	simm.s32 $0x0;
	s22 =	rddreg [dreg:$0x15]  }
0x6e: {  	[tilespmem:s14], [sflag:$0x2] =	stream.linear.gather [hbm4b:s22+s2], $0x3400, $0x38;
	[tilespmem:$0x1C9C0] =	vst v63  }
.LBB2_2:
0x6f: {  	s21 =	sshll.u32 s19, $0x1;
	_ =	swait.ge [sflag:s15], $0x1400  }
0x70: {  	[sflag:s15] =	ssyncset.done $0x0;
	s20 =	smin.u32 s21, $0x5  }
0x71: {  	[sflag:s15] =	ssyncadd.s32 $0xFFFFEC00;
	s20 =	sadd.s32 s20, s24  }
0x72: {  	_ =	swait.ge [sflag:s0], $0x2000;
	s20 =	smul.u32 $0x680, s20  }
0x73: {  	[sflag:s0] =	ssyncset.done $0x0  }
0x74: {  	s22 =	simm.s32 $0x0;
	[sflag:s0] =	ssyncadd.s32 $0xFFFFE000;
	s20 =	sadd.s32 s4, s20  }
0x75: {  	[tilespmem:s8], [sflag:$0x1] =	stream.linear.gather [hbm4b:s20+s22], $0x3400, $0x38;
	[tilespmem:$0x1C9C0] =	vst v63  }
0x76: {  	_ =	swait.ge [sflag:s3], $0x3400  }
0x77: {  	[sflag:s3] =	ssyncset.done $0x0  }
0x78: {  	[sflag:s3] =	ssyncadd.s32 $0xFFFFCC00  }
0x79: {  	[tilespmem:s30], [sflag:$0x6] =	stream.indirect.gather [hbm4b:s5+s9], $0x1, s14, s9, $0xb8;
	[tilespmem:$0x1C9C0] =	vst v63  }
0x7a: {  	s22 =	simm.s32 $0x0  }
0x7b: {  	[tilespmem:s11], [sflag:$0x4] =	stream.indirect.gather [spmem:s1], $0x1, s16, s10, $0xb8;
	[tilespmem:$0x1C9C0] =	vst v63  }
0x7c: {  	v5 =	vld [tilespmem:s22+$0x15C70]  }
0x7d: {  	v6 =	vld [tilespmem:s22+$0x15C40]  }
0x7e: {  	v4 =	vimm.f32 $0.0e+00;
	v7 =	vld [tilespmem:s22+$0x15C50]  }
0x7f: {  	v10 =	vimm.f32 $0.0e+00;
	v11 =	vimm.f32 $0.0e+00;
	v9 =	vimm.f32 $0.0e+00;
	s20 =	simm.s32 $0x100;
	v8 =	vld [tilespmem:s22+$0x15C60]  }
.LBB2_3:
0x80: {  	p1 =	sne.s32 s20, $0xCF00  }
.Ltmp0:
0x81: {  	s22 =	sshra.s32 s20, $0x2;
	s20 =	sadd.s32 $0x100, s20;
	v4 =	vadd.f32 v5, v4;
	(pc) =	sbr.rel @p1 .LBB2_3-.Ltmp0, $4  }
0x82: {  	v5 =	vld [tilespmem:s22+$0x15C70];
	v10 =	vadd.f32 v6, v10  }
0x83: {  	v6 =	vld [tilespmem:s22+$0x15C40];
	v11 =	vadd.f32 v7, v11  }
0x84: {  	v7 =	vld [tilespmem:s22+$0x15C50];
	v9 =	vadd.f32 v8, v9  }
0x85: {  	v8 =	vld [tilespmem:s22+$0x15C60]  }
0x86: {  	_ = 	snop  }
0x87: {  	v4 =	vadd.f32 v5, v4  }
0x88: {  	v6 =	vadd.f32 v6, v10  }
0x89: {  	v7 =	vadd.f32 v7, v11;
	v4 =	vmul.f32 v4, v1  }
0x8a: {  	v6 =	vmul.f32 v6, v1  }
0x8b: {  	v8 =	vadd.f32 v8, v9;
	v7 =	vmul.f32 v7, v1;
	v4 =	vadd.f32 v4, v2  }
0x8c: {  	s20 =	sshll.u32 s19, $0x7;
	v6 =	vadd.f32 v6, v2  }
0x8d: {  	v5 =	vadd.f32 v7, v2;
	v7 =	vmul.f32 v8, v1;
	[tilespmem:s20+$0x1C470] =	vst v4  }
0x8e: {  	vm0 =	vge.f32 v6, v3;
	[tilespmem:s20+$0x1C440] =	vst v6  }
0x8f: {  	v8 =	vsel vm0, $0x1, v0;
	vm13 =	vge.f32 v5, v3;
	v6 =	vadd.f32 v7, v2;
	[tilespmem:s20+$0x1C450] =	vst v5  }
0x90: {  	[tilespmem:s20+$0x1C640] =	vst v8;
	v7 =	vsel vm13, $0x1, v0  }
0x91: {  	[tilespmem:s20+$0x1C650] =	vst v7;
	vm14 =	vge.f32 v6, v3  }
0x92: {  	vm15 =	vge.f32 v4, v3;
	[tilespmem:s20+$0x1C460] =	vst v6;
	v5 =	vsel vm14, $0x1, v0  }
0x93: {  	[tilespmem:s20+$0x1C660] =	vst v5;
	v5 =	vsel vm15, $0x1, v0  }
0x94: {  	[tilespmem:s20+$0x1C670] =	vst v5  }
0x95: {  	_ =	swait.ge [sflag:s17], $0x1400  }
0x96: {  	s21 =	smin.u32 s21, $0x4;
	[sflag:s17] =	ssyncset.done $0x0  }
0x97: {  	s21 =	sadd.s32 s21, s25;
	[sflag:s17] =	ssyncadd.s32 $0xFFFFEC00  }
0x98: {  	s21 =	smul.u32 $0x680, s21;
	_ =	swait.ge [sflag:s6], $0x2000  }
0x99: {  	[sflag:s6] =	ssyncset.done $0x0  }
0x9a: {  	s22 =	simm.s32 $0x0;
	s21 =	sadd.s32 s4, s21;
	[sflag:s6] =	ssyncadd.s32 $0xFFFFE000  }
0x9b: {  	[tilespmem:s14], [sflag:$0x2] =	stream.linear.gather [hbm4b:s21+s22], $0x3400, $0x38;
	[tilespmem:$0x1C9C0] =	vst v63  }
0x9c: {  	_ =	swait.ge [sflag:s31], $0x3400  }
0x9d: {  	[sflag:s31] =	ssyncset.done $0x0  }
0x9e: {  	[sflag:s31] =	ssyncadd.s32 $0xFFFFCC00  }
0x9f: {  	[tilespmem:s29], [sflag:$0x5] =	stream.indirect.gather [hbm4b:s5+s9], $0x1, s8, s9, $0xb8;
	[tilespmem:$0x1C9C0] =	vst v63  }
0xa0: {  	s22 =	simm.s32 $0x0  }
0xa1: {  	[tilespmem:s13], [sflag:$0x3] =	stream.indirect.gather [spmem:s1], $0x1, s12, s10, $0xb8;
	[tilespmem:$0x1C9C0] =	vst v63  }
0xa2: {  	v5 =	vld [tilespmem:s22+$0x19070]  }
0xa3: {  	v6 =	vld [tilespmem:s22+$0x19040]  }
0xa4: {  	v10 =	vimm.f32 $0.0e+00;
	v7 =	vld [tilespmem:s22+$0x19050]  }
0xa5: {  	v11 =	vimm.f32 $0.0e+00;
	v9 =	vimm.f32 $0.0e+00;
	v4 =	vimm.f32 $0.0e+00;
	s21 =	simm.s32 $0x100;
	v8 =	vld [tilespmem:s22+$0x19060]  }
.LBB2_5:
0xa6: {  	p1 =	sne.s32 s21, $0xCF00  }
.Ltmp1:
0xa7: {  	s22 =	sshra.s32 s21, $0x2;
	s21 =	sadd.s32 $0x100, s21;
	v4 =	vadd.f32 v5, v4;
	(pc) =	sbr.rel @p1 .LBB2_5-.Ltmp1, $4  }
0xa8: {  	v5 =	vld [tilespmem:s22+$0x19070];
	v10 =	vadd.f32 v6, v10  }
0xa9: {  	v6 =	vld [tilespmem:s22+$0x19040];
	v11 =	vadd.f32 v7, v11  }
0xaa: {  	v7 =	vld [tilespmem:s22+$0x19050];
	v9 =	vadd.f32 v8, v9  }
0xab: {  	v8 =	vld [tilespmem:s22+$0x19060]  }
0xac: {  	_ = 	snop  }
0xad: {  	v4 =	vadd.f32 v5, v4  }
0xae: {  	v6 =	vadd.f32 v6, v10  }
0xaf: {  	v7 =	vadd.f32 v7, v11;
	v4 =	vmul.f32 v4, v1  }
0xb0: {  	v6 =	vmul.f32 v6, v1  }
0xb1: {  	v8 =	vadd.f32 v8, v9;
	v7 =	vmul.f32 v7, v1;
	v4 =	vadd.f32 v4, v2  }
0xb2: {  	v6 =	vadd.f32 v6, v2  }
0xb3: {  	v60 =	vmul.f32 v8, v1;
	v5 =	vadd.f32 v7, v2;
	[tilespmem:s20+$0x1C4B0] =	vst v4  }
0xb4: {  	s19 =	sadd.s32 $0x1, s19;
	vm0 =	vge.f32 v6, v3;
	[tilespmem:s20+$0x1C480] =	vst v6  }
0xb5: {  	p1 =	sne.s32 s19, $0x4;
	v62 =	vadd.f32 v60, v2;
	v61 =	vsel vm0, $0x1, v0;
	[tilespmem:s20+$0x1C490] =	vst v5  }
.Ltmp2:
0xb6: {  	vm13 =	vge.f32 v5, v3;
	[tilespmem:s20+$0x1C680] =	vst v61;
	(pc) =	sbr.rel @p1 .LBB2_2-.Ltmp2, $4  }
0xb7: {  	v63 =	vsel vm13, $0x1, v0;
	vm14 =	vge.f32 v62, v3;
	[tilespmem:s20+$0x1C4A0] =	vst v62  }
0xb8: {  	vm15 =	vge.f32 v4, v3;
	[tilespmem:s20+$0x1C690] =	vst v63;
	v5 =	vsel vm14, $0x1, v0  }
0xb9: {  	[tilespmem:s20+$0x1C6A0] =	vst v5;
	v5 =	vsel vm15, $0x1, v0  }
0xba: {  	[tilespmem:s20+$0x1C6B0] =	vst v5  }
0xbb: {  	_ =	swait.ge [sflag:s15], $0x1400  }
0xbc: {  	[sflag:s15] =	ssyncset.done $0x0  }
0xbd: {  	[sflag:s15] =	ssyncadd.s32 $0xFFFFEC00  }
0xbe: {  	_ =	swait.ge [sflag:s0], $0x2000  }
0xbf: {  	[sflag:s0] =	ssyncset.done $0x0  }
0xc0: {  	[sflag:s0] =	ssyncadd.s32 $0xFFFFE000  }
0xc1: {  	_ =	swait.ge [sflag:s3], $0x3400  }
0xc2: {  	[sflag:s3] =	ssyncset.done $0x0  }
0xc3: {  	s20 =	simm.s32 $0x1C440;
	s19 =	rddreg [dreg:$0x11];
	[sflag:s3] =	ssyncadd.s32 $0xFFFFCC00  }
0xc4: {  	[hbm4b:s19+s2] =	stream.linear.scatter [tilespmem:s20], [sflag:$0x7], $0x200, $0x38;
	[tilespmem:$0x1C9C0] =	vst v63  }
0xc5: {  	s18 =	sadd.s32 $0x1, s18;
	_ =	swait.ge [sflag:s7], $0x200  }
0xc6: {  	s22 =	simm.s32 $0x1C640;
	p1 =	sne.s32 s18, s26;
	[sflag:s7] =	ssyncset.done $0x0  }
.Ltmp3:
0xc7: {  	s21 =	rddreg [dreg:$0x12];
	[sflag:s7] =	ssyncadd.s32 $0xFFFFFE00;
	(pc) =	sbr.rel @p1 .LBB2_1-.Ltmp3, $4  }
0xc8: {  	[hbm4b:s21+s2] =	stream.linear.scatter [tilespmem:s22], [sflag:$0x7], $0x200, $0x38;
	[tilespmem:$0x1C9C0] =	vst v63  }
0xc9: {  	_ =	swait.ge [sflag:s7], $0x200  }
0xca: {  	[sflag:s7] =	ssyncset.done $0x0  }
0xcb: {  	[sflag:s7] =	ssyncadd.s32 $0xFFFFFE00  }
0xcc: {  	_ =	sfence.sel $0x180000  }
0xcd: {  	[bflag:$0x0] =	sbarrier.arrive $0xFFFF  }
0xce: {  	_ =	strace $0x90000047  }
0xcf: {  	s0 =	stileid.u32;
	[bflag:$0x2] =	sbarrier.arrive $0xFFFF  }
0xd0: {  	p0 =	sne.s32 s0, $0x0;
	s0 =	rddreg [dreg:$0x4]  }
0xd1: {  	s0 =	sadd.s32 @!p0 $0x100000, s0  }
0xd2: {  	[sflag:s0] =	ssyncadd.tile.s32 @!p0 $0x1;
	_ =	shalt  }
.Lfunc_end2:
_tile_overlayer_lowered:
.L_overlay_start_2:
0xd3: {  	(tag) =	ssettag $0x2  }
0xd4: {  	s0 =	rddreg [dreg:$0x0];
	s2 =	stileid.u32  }
0xd5: {  	s1 =	rddreg [dreg:$0x1];
	p0 =	sne.s32 s2, $0x0  }
0xd6: {  	s3 =	rddreg [dreg:$0x2];
	[bflag:$0x3] =	sbarrier.arrive $0xFFFF;
	s2 =	simm.s32 @!p0 $0x1C07  }
0xd7: {  	[timem:s3], [sflag:s2] =	dma.local @!p0 [hbm:s0], s1  }
0xd8: {  	s0 =	simm.s32 @!p0 $0x7  }
0xd9: {  	_ =	swait.ge @!p0 [sflag:s0], s1  }
0xda: {  	s1 =	ssub.s32 @!p0 $0x0, s1;
	[sflag:s0] =	ssyncset.done @!p0 $0x0  }
0xdb: {  	[sflag:s0] =	ssyncadd.s32 @!p0 s1  }
0xdc: {  	[bflag:$0x3] =	sbarrier.arrive $0xFFFF  }
0xdd: {  	_ =	shalt  }

</sc_bundles>
